<compile_context>
chip_gen: v7x
topology: tpu7x:2x2x1
jax: 0.10.2.dev20260603
libtpu: 0.0.44.dev20260713+nightly
codegen_flags: <defaults>
</compile_context>

<pallas_src>
import functools

import jax
import jax.numpy as jnp
from jax import lax
from jax.experimental import pallas as pl
from jax.experimental.pallas import tpu as pltpu
from jax.experimental.pallas import tpu_sc as plsc

_NC, _NS = 2, 16
_NW = _NC * _NS
_LANES = 16
_NBUF = 4


def _pos_body(row_ref, col_ref, pos_ref):
    row_t = row_ref[...].T
    col_t = col_ref[...].T
    pos3 = row_t[:, :, None] + col_t[:, None, :]
    pos_ref[...] = pos3.reshape(pos_ref.shape)


def _build_pos(row_embed, col_embed):
    H, D = row_embed.shape
    W = col_embed.shape[0]
    return pl.pallas_call(
        _pos_body,
        out_shape=jax.ShapeDtypeStruct((D, H * W), jnp.float32),
    )(row_embed, col_embed)


def _sc_add_kernel(B, D, HW):
    d_per_w = D // _NW
    rows = d_per_w // 2
    n_chunks = 2 * B

    mesh = plsc.VectorSubcoreMesh(core_axis_name="c", subcore_axis_name="s")

    @functools.partial(
        pl.kernel,
        out_type=jax.ShapeDtypeStruct((B, D, HW), jnp.float32),
        mesh=mesh,
        scratch_types=[
            pltpu.VMEM((d_per_w, HW), jnp.float32),
            pltpu.VMEM((_NBUF, rows, HW), jnp.float32),
            pltpu.SemaphoreType.DMA((_NBUF,)),
            pltpu.SemaphoreType.DMA((_NBUF,)),
        ],
    )
    def k(x_hbm, pos_hbm, out_hbm, pos_v, bufs, sis, sos):
        w = lax.axis_index("s") * _NC + lax.axis_index("c")
        d0 = w * d_per_w

        def in_copy(t):
            b, half, s = t // 2, t % 2, t % _NBUF
            return pltpu.make_async_copy(
                x_hbm.at[b, pl.ds(d0 + half * rows, rows)],
                bufs.at[s], sis.at[s])

        def out_copy(t):
            b, half, s = t // 2, t % 2, t % _NBUF
            return pltpu.make_async_copy(
                bufs.at[s],
                out_hbm.at[b, pl.ds(d0 + half * rows, rows)], sos.at[s])

        in_copy(0).start()
        in_copy(1).start()
        pltpu.sync_copy(pos_hbm.at[pl.ds(d0, d_per_w)], pos_v)

        def step(t, carry):
            s = t % _NBUF
            half = t % 2
            in_copy(t).wait()

            for r in range(rows):
                def _body(i, r=r, s=s, half=half):
                    sl = pl.ds(i, _LANES)
                    plsc.addupdate(bufs.at[s, r, sl],
                                   pos_v[half * rows + r, sl])

                plsc.parallel_loop(0, HW, step=16, unroll=8)(_body)

            out_copy(t).start()

            @pl.when(t + 2 < n_chunks)
            def _():
                @pl.when(t >= 2)
                def _():
                    out_copy(t - 2).wait()
                in_copy(t + 2).start()

            return carry

        lax.fori_loop(0, n_chunks, step, 0)
        for t in range(n_chunks - _NBUF, n_chunks):
            out_copy(t).wait()

    return k


def kernel(x, row_embed, col_embed):
    B, D, H, W = x.shape
    HW = H * W
    pos = _build_pos(row_embed, col_embed)
    xf = x.reshape(B, D, HW)
    out = _sc_add_kernel(B, D, HW)(xf, pos)
    return out.reshape(B, D, H, W)

# --- scband reference (transcript-rebuilt; emitter-appended) ---
"""Pipeline reference for scband-position-embedding2-dlearned-47768626266377 (READ-ONLY COPY).

The authoritative reference and input builder live on the scoring server;
editing this copy changes nothing except your own understanding.
"""

import jax, jax.numpy as jnp
import numpy as np


def setup_inputs(seed: int = 0) -> dict:
    key = jax.random.key(seed)
    k1, k2, k3 = jax.random.split(key, 3)
    x = jax.random.normal(k1, (16, 256, 64, 64), dtype=jnp.float32)
    # learned params (trunc_normal init approximated by scaled normal)
    row_embed = jax.random.normal(k2, (64, 256), dtype=jnp.float32) * 0.02
    col_embed = jax.random.normal(k3, (64, 256), dtype=jnp.float32) * 0.02
    return {"x": x, "row_embed": row_embed, "col_embed": col_embed}


def reference(x, row_embed, col_embed):
    h, w = x.shape[-2], x.shape[-1]
    d = row_embed.shape[1]
    i = jnp.arange(w)
    j = jnp.arange(h)
    # col_embed(i).unsqueeze(0).repeat(h, 1, 1) -> [h, w, d]
    x_emb = jnp.broadcast_to(jnp.take(col_embed, i, axis=0)[None, :, :], (h, w, d))
    # row_embed(j).unsqueeze(1).repeat(1, w, 1) -> [h, w, d]
    y_emb = jnp.broadcast_to(jnp.take(row_embed, j, axis=0)[:, None, :], (h, w, d))
    # permute(2,0,1).unsqueeze(0).repeat(B,1,1,1) -> [B, d, h, w]
    pos = jnp.transpose(x_emb + y_emb, (2, 0, 1))[None, :, :, :]
    pos = jnp.broadcast_to(pos, (x.shape[0], d, h, w))
    return x + pos

if __name__ == "__main__":
    import jax
    _d = setup_inputs()
    print(jax.jit(kernel)(*tuple(_d.values())))

</pallas_src>

<mosaic_0001>
#map = affine_map<(d0, d1) -> (0, 0, 0)>
#map1 = affine_map<(d0, d1) -> (0, 0)>
module attributes {stable_mosaic.version = 14 : i64} {
  func.func @k(%arg0: i32, %arg1: i32, %arg2: memref<16x256x4096xf32, #tpu.memory_space<hbm>>, %arg3: memref<256x4096xf32, #tpu.memory_space<hbm>>, %arg4: memref<16x256x4096xf32, #tpu.memory_space<hbm>>, %arg5: memref<8x4096xf32, #tpu.memory_space<vmem>>, %arg6: memref<4x4x4096xf32, #tpu.memory_space<vmem>>, %arg7: memref<4x!tpu.dma_semaphore, #tpu.memory_space<semaphore_mem>>, %arg8: memref<4x!tpu.dma_semaphore, #tpu.memory_space<semaphore_mem>>) attributes {dimension_semantics = [#tpu.dimension_semantics<core_parallel>, #tpu.dimension_semantics<subcore_parallel>], iteration_bounds = array<i64: 2, 16>, scalar_prefetch = 0 : i64, scratch_operands = 4 : i64, tpu.core_type = #tpu.core_type<sc_vector_subcore>, window_params = [{transform_indices = #map}, {transform_indices = #map1}, {transform_indices = #map}]} {
    %mul3A = arith.constant 2 : i32
    %mul3A_0 = arith.muli %arg1, %mul3A : i32
    %add3A = arith.addi %mul3A_0, %arg0 : i32
    %mul3A_1 = arith.constant 8 : i32
    %mul3A_2 = arith.muli %add3A, %mul3A_1 : i32
    %add3A_3 = arith.constant 0 : i32
    %add3A_4 = arith.addi %mul3A_2, %add3A_3 : i32
    %dma_start3A = arith.constant 0 : i32
    %dma_start3A_5 = arith.constant 0 : i32
    %dma_start3A_6 = arith.constant 0 : i32
    %dma_start3A_7 = arith.constant 0 : i32
    %dma_start3A_8 = arith.constant 0 : i32
    %dma_start3A_9 = tpu.memref_slice %arg6[%dma_start3A_5, %dma_start3A_7, %dma_start3A_8] : memref<4x4x4096xf32, #tpu.memory_space<vmem>> -> memref<1x4x4096xf32, #tpu.memory_space<vmem>>
    %dma_start3A_10 = tpu.memref_squeeze %dma_start3A_9 : memref<1x4x4096xf32, #tpu.memory_space<vmem>> -> memref<4x4096xf32, #tpu.memory_space<vmem>>
    %dma_start3A_11 = arith.constant 0 : i32
    %dma_start3A_12 = tpu.memref_slice %arg2[%dma_start3A, %add3A_4, %dma_start3A_11] : memref<16x256x4096xf32, #tpu.memory_space<hbm>> -> memref<1x4x4096xf32, #tpu.memory_space<hbm>>
    %dma_start3A_13 = tpu.memref_squeeze %dma_start3A_12 : memref<1x4x4096xf32, #tpu.memory_space<hbm>> -> memref<4x4096xf32, #tpu.memory_space<hbm>>
    %dma_start3A_14 = tpu.memref_slice %arg7[%dma_start3A_6] : memref<4x!tpu.dma_semaphore, #tpu.memory_space<semaphore_mem>> -> memref<1x!tpu.dma_semaphore, #tpu.memory_space<semaphore_mem>>
    %dma_start3A_15 = tpu.memref_squeeze %dma_start3A_14 : memref<1x!tpu.dma_semaphore, #tpu.memory_space<semaphore_mem>> -> memref<!tpu.dma_semaphore, #tpu.memory_space<semaphore_mem>>
    %dma_start3A_16 = arith.constant 0 : i32
    %dma_start3A_17 = arith.constant 0 : i32
    %dma_start3A_18 = tpu.memref_slice %arg6[%dma_start3A_5, %dma_start3A_16, %dma_start3A_17] : memref<4x4x4096xf32, #tpu.memory_space<vmem>> -> memref<1x4x4096xf32, #tpu.memory_space<vmem>>
    %dma_start3A_19 = tpu.memref_squeeze %dma_start3A_18 : memref<1x4x4096xf32, #tpu.memory_space<vmem>> -> memref<4x4096xf32, #tpu.memory_space<vmem>>
    %dma_start3A_20 = arith.constant 0 : i32
    %dma_start3A_21 = tpu.memref_slice %arg2[%dma_start3A, %add3A_4, %dma_start3A_20] : memref<16x256x4096xf32, #tpu.memory_space<hbm>> -> memref<1x4x4096xf32, #tpu.memory_space<hbm>>
    %dma_start3A_22 = tpu.memref_squeeze %dma_start3A_21 : memref<1x4x4096xf32, #tpu.memory_space<hbm>> -> memref<4x4096xf32, #tpu.memory_space<hbm>>
    tpu.enqueue_dma source(%dma_start3A_22 : memref<4x4096xf32, #tpu.memory_space<hbm>>) target(%dma_start3A_19 : memref<4x4096xf32, #tpu.memory_space<vmem>>) target_semaphore(%dma_start3A_15 : memref<!tpu.dma_semaphore, #tpu.memory_space<semaphore_mem>>)
    %add3A_23 = arith.constant 4 : i32
    %add3A_24 = arith.addi %mul3A_2, %add3A_23 : i32
    %dma_start3A_25 = arith.constant 0 : i32
    %dma_start3A_26 = arith.constant 1 : i32
    %dma_start3A_27 = arith.constant 1 : i32
    %dma_start3A_28 = arith.constant 0 : i32
    %dma_start3A_29 = arith.constant 0 : i32
    %dma_start3A_30 = tpu.memref_slice %arg6[%dma_start3A_26, %dma_start3A_28, %dma_start3A_29] : memref<4x4x4096xf32, #tpu.memory_space<vmem>> -> memref<1x4x4096xf32, #tpu.memory_space<vmem>>
    %dma_start3A_31 = tpu.memref_squeeze %dma_start3A_30 : memref<1x4x4096xf32, #tpu.memory_space<vmem>> -> memref<4x4096xf32, #tpu.memory_space<vmem>>
    %dma_start3A_32 = arith.constant 0 : i32
    %dma_start3A_33 = tpu.memref_slice %arg2[%dma_start3A_25, %add3A_24, %dma_start3A_32] : memref<16x256x4096xf32, #tpu.memory_space<hbm>> -> memref<1x4x4096xf32, #tpu.memory_space<hbm>>
    %dma_start3A_34 = tpu.memref_squeeze %dma_start3A_33 : memref<1x4x4096xf32, #tpu.memory_space<hbm>> -> memref<4x4096xf32, #tpu.memory_space<hbm>>
    %dma_start3A_35 = tpu.memref_slice %arg7[%dma_start3A_27] : memref<4x!tpu.dma_semaphore, #tpu.memory_space<semaphore_mem>> -> memref<1x!tpu.dma_semaphore, #tpu.memory_space<semaphore_mem>>
    %dma_start3A_36 = tpu.memref_squeeze %dma_start3A_35 : memref<1x!tpu.dma_semaphore, #tpu.memory_space<semaphore_mem>> -> memref<!tpu.dma_semaphore, #tpu.memory_space<semaphore_mem>>
    %dma_start3A_37 = arith.constant 0 : i32
    %dma_start3A_38 = arith.constant 0 : i32
    %dma_start3A_39 = tpu.memref_slice %arg6[%dma_start3A_26, %dma_start3A_37, %dma_start3A_38] : memref<4x4x4096xf32, #tpu.memory_space<vmem>> -> memref<1x4x4096xf32, #tpu.memory_space<vmem>>
    %dma_start3A_40 = tpu.memref_squeeze %dma_start3A_39 : memref<1x4x4096xf32, #tpu.memory_space<vmem>> -> memref<4x4096xf32, #tpu.memory_space<vmem>>
    %dma_start3A_41 = arith.constant 0 : i32
    %dma_start3A_42 = tpu.memref_slice %arg2[%dma_start3A_25, %add3A_24, %dma_start3A_41] : memref<16x256x4096xf32, #tpu.memory_space<hbm>> -> memref<1x4x4096xf32, #tpu.memory_space<hbm>>
    %dma_start3A_43 = tpu.memref_squeeze %dma_start3A_42 : memref<1x4x4096xf32, #tpu.memory_space<hbm>> -> memref<4x4096xf32, #tpu.memory_space<hbm>>
    tpu.enqueue_dma source(%dma_start3A_43 : memref<4x4096xf32, #tpu.memory_space<hbm>>) target(%dma_start3A_40 : memref<4x4096xf32, #tpu.memory_space<vmem>>) target_semaphore(%dma_start3A_36 : memref<!tpu.dma_semaphore, #tpu.memory_space<semaphore_mem>>)
    "tpu.region"() ({
      %run_scoped3A = tpu.sem_alloc : memref<!tpu.dma_semaphore, #tpu.memory_space<semaphore_mem>>
      %dma_start3A_132 = arith.constant 0 : i32
      %dma_start3A_133 = tpu.memref_slice %arg3[%mul3A_2, %dma_start3A_132] : memref<256x4096xf32, #tpu.memory_space<hbm>> -> memref<8x4096xf32, #tpu.memory_space<hbm>>
      %dma_start3A_134 = arith.constant 0 : i32
      %dma_start3A_135 = tpu.memref_slice %arg3[%mul3A_2, %dma_start3A_134] : memref<256x4096xf32, #tpu.memory_space<hbm>> -> memref<8x4096xf32, #tpu.memory_space<hbm>>
      tpu.enqueue_dma source(%dma_start3A_135 : memref<8x4096xf32, #tpu.memory_space<hbm>>) target(%arg5 : memref<8x4096xf32, #tpu.memory_space<vmem>>) target_semaphore(%run_scoped3A : memref<!tpu.dma_semaphore, #tpu.memory_space<semaphore_mem>>)
      %dma_wait3A_136 = arith.constant 0 : i32
      %dma_wait3A_137 = tpu.memref_slice %arg3[%mul3A_2, %dma_wait3A_136] : memref<256x4096xf32, #tpu.memory_space<hbm>> -> memref<8x4096xf32, #tpu.memory_space<hbm>>
      %dma_wait3A_138 = arith.constant 0 : i32
      %dma_wait3A_139 = tpu.memref_slice %arg3[%mul3A_2, %dma_wait3A_138] : memref<256x4096xf32, #tpu.memory_space<hbm>> -> memref<8x4096xf32, #tpu.memory_space<hbm>>
      tpu.wait_dma2 semaphore(%run_scoped3A : memref<!tpu.dma_semaphore, #tpu.memory_space<semaphore_mem>>) src(%dma_wait3A_139 : memref<8x4096xf32, #tpu.memory_space<hbm>>) dst(%arg5 : memref<8x4096xf32, #tpu.memory_space<vmem>>)
      tpu.yield
    }) : () -> ()
    %scan3A = arith.constant 0 : i32
    %scan3A_44 = arith.constant 0 : i32
    %scan3A_45 = arith.constant 32 : i32
    %scan3A_46 = arith.addi %scan3A_44, %scan3A_45 : i32
    %scan3A_47 = arith.constant 1 : i32
    scf.for %scan3A_132 = %scan3A_44 to %scan3A_46 step %scan3A_47  : i32 {
      %jit3A = arith.constant 4 : i32
      %eq3A = arith.constant 0 : i32
      %eq3A_133 = arith.cmpi eq, %jit3A, %eq3A : i32
      %jit3A_134 = arith.constant 1 : i32
      %select_n3A = arith.select %eq3A_133, %jit3A_134, %jit3A : i32
      %rem3A = arith.remsi %scan3A_132, %select_n3A : i32
      %ne3A = arith.constant 0 : i32
      %ne3A_135 = arith.cmpi ne, %rem3A, %ne3A : i32
      %lt3A = arith.constant 0 : i32
      %lt3A_136 = arith.cmpi slt, %rem3A, %lt3A : i32
      %lt3A_137 = arith.constant 0 : i32
      %lt3A_138 = arith.cmpi slt, %select_n3A, %lt3A_137 : i32
      %ne3A_139 = arith.xori %lt3A_136, %lt3A_138 : i1
      %and3A = arith.andi %ne3A_139, %ne3A_135 : i1
      %add3A_140 = arith.addi %rem3A, %select_n3A : i32
      %select_n3A_141 = arith.select %and3A, %add3A_140, %rem3A : i32
      %jit3A_142 = arith.constant 2 : i32
      %eq3A_143 = arith.constant 0 : i32
      %eq3A_144 = arith.cmpi eq, %jit3A_142, %eq3A_143 : i32
      %jit3A_145 = arith.constant 1 : i32
      %select_n3A_146 = arith.select %eq3A_144, %jit3A_145, %jit3A_142 : i32
      %rem3A_147 = arith.remsi %scan3A_132, %select_n3A_146 : i32
      %ne3A_148 = arith.constant 0 : i32
      %ne3A_149 = arith.cmpi ne, %rem3A_147, %ne3A_148 : i32
      %lt3A_150 = arith.constant 0 : i32
      %lt3A_151 = arith.cmpi slt, %rem3A_147, %lt3A_150 : i32
      %lt3A_152 = arith.constant 0 : i32
      %lt3A_153 = arith.cmpi slt, %select_n3A_146, %lt3A_152 : i32
      %ne3A_154 = arith.xori %lt3A_151, %lt3A_153 : i1
      %and3A_155 = arith.andi %ne3A_154, %ne3A_149 : i1
      %add3A_156 = arith.addi %rem3A_147, %select_n3A_146 : i32
      %select_n3A_157 = arith.select %and3A_155, %add3A_156, %rem3A_147 : i32
      %jit3A_158 = arith.constant 2 : i32
      %div3A = arith.divsi %scan3A_132, %jit3A_158 : i32
      %sign3A = arith.constant 0 : i32
      %sign3A_159 = arith.cmpi sgt, %scan3A_132, %sign3A : i32
      %sign3A_160 = arith.extui %sign3A_159 : i1 to i32
      %sign3A_161 = arith.constant 0 : i32
      %sign3A_162 = arith.cmpi slt, %scan3A_132, %sign3A_161 : i32
      %sign3A_163 = arith.extui %sign3A_162 : i1 to i32
      %sign3A_164 = arith.subi %sign3A_160, %sign3A_163 : i32
      %sign3A_165 = arith.constant 0 : i32
      %sign3A_166 = arith.cmpi sgt, %jit3A_158, %sign3A_165 : i32
      %sign3A_167 = arith.extui %sign3A_166 : i1 to i32
      %sign3A_168 = arith.constant 0 : i32
      %sign3A_169 = arith.cmpi slt, %jit3A_158, %sign3A_168 : i32
      %sign3A_170 = arith.extui %sign3A_169 : i1 to i32
      %sign3A_171 = arith.subi %sign3A_167, %sign3A_170 : i32
      %ne3A_172 = arith.cmpi ne, %sign3A_164, %sign3A_171 : i32
      %rem3A_173 = arith.remsi %scan3A_132, %jit3A_158 : i32
      %ne3A_174 = arith.constant 0 : i32
      %ne3A_175 = arith.cmpi ne, %rem3A_173, %ne3A_174 : i32
      %and3A_176 = arith.andi %ne3A_172, %ne3A_175 : i1
      %sub3A = arith.constant 1 : i32
      %sub3A_177 = arith.subi %div3A, %sub3A : i32
      %select_n3A_178 = arith.select %and3A_176, %sub3A_177, %div3A : i32
      %jit3A_179 = arith.constant 2 : i32
      %eq3A_180 = arith.constant 0 : i32
      %eq3A_181 = arith.cmpi eq, %jit3A_179, %eq3A_180 : i32
      %jit3A_182 = arith.constant 1 : i32
      %select_n3A_183 = arith.select %eq3A_181, %jit3A_182, %jit3A_179 : i32
      %rem3A_184 = arith.remsi %scan3A_132, %select_n3A_183 : i32
      %ne3A_185 = arith.constant 0 : i32
      %ne3A_186 = arith.cmpi ne, %rem3A_184, %ne3A_185 : i32
      %lt3A_187 = arith.constant 0 : i32
      %lt3A_188 = arith.cmpi slt, %rem3A_184, %lt3A_187 : i32
      %lt3A_189 = arith.constant 0 : i32
      %lt3A_190 = arith.cmpi slt, %select_n3A_183, %lt3A_189 : i32
      %ne3A_191 = arith.xori %lt3A_188, %lt3A_190 : i1
      %and3A_192 = arith.andi %ne3A_191, %ne3A_186 : i1
      %add3A_193 = arith.addi %rem3A_184, %select_n3A_183 : i32
      %select_n3A_194 = arith.select %and3A_192, %add3A_193, %rem3A_184 : i32
      %jit3A_195 = arith.constant 4 : i32
      %eq3A_196 = arith.constant 0 : i32
      %eq3A_197 = arith.cmpi eq, %jit3A_195, %eq3A_196 : i32
      %jit3A_198 = arith.constant 1 : i32
      %select_n3A_199 = arith.select %eq3A_197, %jit3A_198, %jit3A_195 : i32
      %rem3A_200 = arith.remsi %scan3A_132, %select_n3A_199 : i32
      %ne3A_201 = arith.constant 0 : i32
      %ne3A_202 = arith.cmpi ne, %rem3A_200, %ne3A_201 : i32
      %lt3A_203 = arith.constant 0 : i32
      %lt3A_204 = arith.cmpi slt, %rem3A_200, %lt3A_203 : i32
      %lt3A_205 = arith.constant 0 : i32
      %lt3A_206 = arith.cmpi slt, %select_n3A_199, %lt3A_205 : i32
      %ne3A_207 = arith.xori %lt3A_204, %lt3A_206 : i1
      %and3A_208 = arith.andi %ne3A_207, %ne3A_202 : i1
      %add3A_209 = arith.addi %rem3A_200, %select_n3A_199 : i32
      %select_n3A_210 = arith.select %and3A_208, %add3A_209, %rem3A_200 : i32
      %mul3A_211 = arith.constant 4 : i32
      %mul3A_212 = arith.muli %select_n3A_194, %mul3A_211 : i32
      %add3A_213 = arith.addi %mul3A_2, %mul3A_212 : i32
      %dma_wait3A_214 = arith.constant 0 : i32
      %dma_wait3A_215 = arith.constant 0 : i32
      %dma_wait3A_216 = tpu.memref_slice %arg6[%select_n3A_210, %dma_wait3A_214, %dma_wait3A_215] : memref<4x4x4096xf32, #tpu.memory_space<vmem>> -> memref<1x4x4096xf32, #tpu.memory_space<vmem>>
      %dma_wait3A_217 = tpu.memref_squeeze %dma_wait3A_216 : memref<1x4x4096xf32, #tpu.memory_space<vmem>> -> memref<4x4096xf32, #tpu.memory_space<vmem>>
      %dma_wait3A_218 = arith.constant 0 : i32
      %dma_wait3A_219 = tpu.memref_slice %arg2[%select_n3A_178, %add3A_213, %dma_wait3A_218] : memref<16x256x4096xf32, #tpu.memory_space<hbm>> -> memref<1x4x4096xf32, #tpu.memory_space<hbm>>
      %dma_wait3A_220 = tpu.memref_squeeze %dma_wait3A_219 : memref<1x4x4096xf32, #tpu.memory_space<hbm>> -> memref<4x4096xf32, #tpu.memory_space<hbm>>
      %dma_wait3A_221 = tpu.memref_slice %arg7[%select_n3A_210] : memref<4x!tpu.dma_semaphore, #tpu.memory_space<semaphore_mem>> -> memref<1x!tpu.dma_semaphore, #tpu.memory_space<semaphore_mem>>
      %dma_wait3A_222 = tpu.memref_squeeze %dma_wait3A_221 : memref<1x!tpu.dma_semaphore, #tpu.memory_space<semaphore_mem>> -> memref<!tpu.dma_semaphore, #tpu.memory_space<semaphore_mem>>
      %dma_wait3A_223 = arith.constant 0 : i32
      %dma_wait3A_224 = arith.constant 0 : i32
      %dma_wait3A_225 = tpu.memref_slice %arg6[%select_n3A_210, %dma_wait3A_223, %dma_wait3A_224] : memref<4x4x4096xf32, #tpu.memory_space<vmem>> -> memref<1x4x4096xf32, #tpu.memory_space<vmem>>
      %dma_wait3A_226 = tpu.memref_squeeze %dma_wait3A_225 : memref<1x4x4096xf32, #tpu.memory_space<vmem>> -> memref<4x4096xf32, #tpu.memory_space<vmem>>
      %dma_wait3A_227 = arith.constant 0 : i32
      %dma_wait3A_228 = tpu.memref_slice %arg2[%select_n3A_178, %add3A_213, %dma_wait3A_227] : memref<16x256x4096xf32, #tpu.memory_space<hbm>> -> memref<1x4x4096xf32, #tpu.memory_space<hbm>>
      %dma_wait3A_229 = tpu.memref_squeeze %dma_wait3A_228 : memref<1x4x4096xf32, #tpu.memory_space<hbm>> -> memref<4x4096xf32, #tpu.memory_space<hbm>>
      tpu.wait_dma2 semaphore(%dma_wait3A_222 : memref<!tpu.dma_semaphore, #tpu.memory_space<semaphore_mem>>) src(%dma_wait3A_229 : memref<4x4096xf32, #tpu.memory_space<hbm>>) dst(%dma_wait3A_226 : memref<4x4096xf32, #tpu.memory_space<vmem>>)
      %parallel_loop3A = arith.constant 0 : i32
      %parallel_loop3A_230 = arith.constant 4096 : i32
      %parallel_loop3A_231 = arith.constant 16 : i32
      scf.for %parallel_loop3A_321 = %parallel_loop3A to %parallel_loop3A_230 step %parallel_loop3A_231  : i32 {
        %parallel_loop3A_322 = arith.constant 4 : i32
        %parallel_loop3A_323 = arith.muli %select_n3A_157, %parallel_loop3A_322 : i32
        %parallel_loop3A_324 = arith.constant 0 : i32
        %parallel_loop3A_325 = arith.addi %parallel_loop3A_323, %parallel_loop3A_324 : i32
        %parallel_loop3A_326 = arith.index_cast %parallel_loop3A_325 : i32 to index
        %parallel_loop3A_327 = arith.index_cast %parallel_loop3A_321 : i32 to index
        %parallel_loop3A_328 = tpu.vector_load %arg5[%parallel_loop3A_326, %parallel_loop3A_327] {strides = array<i32>} : memref<8x4096xf32, #tpu.memory_space<vmem>>, vector<1x16xf32>,
        %parallel_loop3A_329 = vector.shape_cast %parallel_loop3A_328 : vector<1x16xf32> to vector<16xf32>
        %parallel_loop3A_330 = arith.constant 0 : i32
        %parallel_loop3A_331 = arith.index_cast %select_n3A_141 : i32 to index
        %parallel_loop3A_332 = arith.index_cast %parallel_loop3A_330 : i32 to index
        %parallel_loop3A_333 = arith.index_cast %parallel_loop3A_321 : i32 to index
        %parallel_loop3A_334 = tpu.vector_load %arg6[%parallel_loop3A_331, %parallel_loop3A_332, %parallel_loop3A_333] {strides = array<i32>} : memref<4x4x4096xf32, #tpu.memory_space<vmem>>, vector<1x1x16xf32>,
        %parallel_loop3A_335 = vector.shape_cast %parallel_loop3A_334 : vector<1x1x16xf32> to vector<16xf32>
        %parallel_loop3A_336 = vector.shape_cast %parallel_loop3A_329 : vector<16xf32> to vector<1x1x16xf32>
        tpu.vector_store %arg6[%parallel_loop3A_331, %parallel_loop3A_332, %parallel_loop3A_333], %parallel_loop3A_336 {add = true, strides = array<i32>} : memref<4x4x4096xf32, #tpu.memory_space<vmem>>, vector<1x1x16xf32>,
      } {sc.loop_unroll_factor = 8 : i64, sc.parallel_access}
      %parallel_loop3A_232 = arith.constant 0 : i32
      %parallel_loop3A_233 = arith.constant 4096 : i32
      %parallel_loop3A_234 = arith.constant 16 : i32
      scf.for %parallel_loop3A_321 = %parallel_loop3A_232 to %parallel_loop3A_233 step %parallel_loop3A_234  : i32 {
        %parallel_loop3A_322 = arith.constant 4 : i32
        %parallel_loop3A_323 = arith.muli %select_n3A_157, %parallel_loop3A_322 : i32
        %parallel_loop3A_324 = arith.constant 1 : i32
        %parallel_loop3A_325 = arith.addi %parallel_loop3A_323, %parallel_loop3A_324 : i32
        %parallel_loop3A_326 = arith.index_cast %parallel_loop3A_325 : i32 to index
        %parallel_loop3A_327 = arith.index_cast %parallel_loop3A_321 : i32 to index
        %parallel_loop3A_328 = tpu.vector_load %arg5[%parallel_loop3A_326, %parallel_loop3A_327] {strides = array<i32>} : memref<8x4096xf32, #tpu.memory_space<vmem>>, vector<1x16xf32>,
        %parallel_loop3A_329 = vector.shape_cast %parallel_loop3A_328 : vector<1x16xf32> to vector<16xf32>
        %parallel_loop3A_330 = arith.constant 1 : i32
        %parallel_loop3A_331 = arith.index_cast %select_n3A_141 : i32 to index
        %parallel_loop3A_332 = arith.index_cast %parallel_loop3A_330 : i32 to index
        %parallel_loop3A_333 = arith.index_cast %parallel_loop3A_321 : i32 to index
        %parallel_loop3A_334 = tpu.vector_load %arg6[%parallel_loop3A_331, %parallel_loop3A_332, %parallel_loop3A_333] {strides = array<i32>} : memref<4x4x4096xf32, #tpu.memory_space<vmem>>, vector<1x1x16xf32>,
        %parallel_loop3A_335 = vector.shape_cast %parallel_loop3A_334 : vector<1x1x16xf32> to vector<16xf32>
        %parallel_loop3A_336 = vector.shape_cast %parallel_loop3A_329 : vector<16xf32> to vector<1x1x16xf32>
        tpu.vector_store %arg6[%parallel_loop3A_331, %parallel_loop3A_332, %parallel_loop3A_333], %parallel_loop3A_336 {add = true, strides = array<i32>} : memref<4x4x4096xf32, #tpu.memory_space<vmem>>, vector<1x1x16xf32>,
      } {sc.loop_unroll_factor = 8 : i64, sc.parallel_access}
      %parallel_loop3A_235 = arith.constant 0 : i32
      %parallel_loop3A_236 = arith.constant 4096 : i32
      %parallel_loop3A_237 = arith.constant 16 : i32
      scf.for %parallel_loop3A_321 = %parallel_loop3A_235 to %parallel_loop3A_236 step %parallel_loop3A_237  : i32 {
        %parallel_loop3A_322 = arith.constant 4 : i32
        %parallel_loop3A_323 = arith.muli %select_n3A_157, %parallel_loop3A_322 : i32
        %parallel_loop3A_324 = arith.constant 2 : i32
        %parallel_loop3A_325 = arith.addi %parallel_loop3A_323, %parallel_loop3A_324 : i32
        %parallel_loop3A_326 = arith.index_cast %parallel_loop3A_325 : i32 to index
        %parallel_loop3A_327 = arith.index_cast %parallel_loop3A_321 : i32 to index
        %parallel_loop3A_328 = tpu.vector_load %arg5[%parallel_loop3A_326, %parallel_loop3A_327] {strides = array<i32>} : memref<8x4096xf32, #tpu.memory_space<vmem>>, vector<1x16xf32>,
        %parallel_loop3A_329 = vector.shape_cast %parallel_loop3A_328 : vector<1x16xf32> to vector<16xf32>
        %parallel_loop3A_330 = arith.constant 2 : i32
        %parallel_loop3A_331 = arith.index_cast %select_n3A_141 : i32 to index
        %parallel_loop3A_332 = arith.index_cast %parallel_loop3A_330 : i32 to index
        %parallel_loop3A_333 = arith.index_cast %parallel_loop3A_321 : i32 to index
        %parallel_loop3A_334 = tpu.vector_load %arg6[%parallel_loop3A_331, %parallel_loop3A_332, %parallel_loop3A_333] {strides = array<i32>} : memref<4x4x4096xf32, #tpu.memory_space<vmem>>, vector<1x1x16xf32>,
        %parallel_loop3A_335 = vector.shape_cast %parallel_loop3A_334 : vector<1x1x16xf32> to vector<16xf32>
        %parallel_loop3A_336 = vector.shape_cast %parallel_loop3A_329 : vector<16xf32> to vector<1x1x16xf32>
        tpu.vector_store %arg6[%parallel_loop3A_331, %parallel_loop3A_332, %parallel_loop3A_333], %parallel_loop3A_336 {add = true, strides = array<i32>} : memref<4x4x4096xf32, #tpu.memory_space<vmem>>, vector<1x1x16xf32>,
      } {sc.loop_unroll_factor = 8 : i64, sc.parallel_access}
      %parallel_loop3A_238 = arith.constant 0 : i32
      %parallel_loop3A_239 = arith.constant 4096 : i32
      %parallel_loop3A_240 = arith.constant 16 : i32
      scf.for %parallel_loop3A_321 = %parallel_loop3A_238 to %parallel_loop3A_239 step %parallel_loop3A_240  : i32 {
        %parallel_loop3A_322 = arith.constant 4 : i32
        %parallel_loop3A_323 = arith.muli %select_n3A_157, %parallel_loop3A_322 : i32
        %parallel_loop3A_324 = arith.constant 3 : i32
        %parallel_loop3A_325 = arith.addi %parallel_loop3A_323, %parallel_loop3A_324 : i32
        %parallel_loop3A_326 = arith.index_cast %parallel_loop3A_325 : i32 to index
        %parallel_loop3A_327 = arith.index_cast %parallel_loop3A_321 : i32 to index
        %parallel_loop3A_328 = tpu.vector_load %arg5[%parallel_loop3A_326, %parallel_loop3A_327] {strides = array<i32>} : memref<8x4096xf32, #tpu.memory_space<vmem>>, vector<1x16xf32>,
        %parallel_loop3A_329 = vector.shape_cast %parallel_loop3A_328 : vector<1x16xf32> to vector<16xf32>
        %parallel_loop3A_330 = arith.constant 3 : i32
        %parallel_loop3A_331 = arith.index_cast %select_n3A_141 : i32 to index
        %parallel_loop3A_332 = arith.index_cast %parallel_loop3A_330 : i32 to index
        %parallel_loop3A_333 = arith.index_cast %parallel_loop3A_321 : i32 to index
        %parallel_loop3A_334 = tpu.vector_load %arg6[%parallel_loop3A_331, %parallel_loop3A_332, %parallel_loop3A_333] {strides = array<i32>} : memref<4x4x4096xf32, #tpu.memory_space<vmem>>, vector<1x1x16xf32>,
        %parallel_loop3A_335 = vector.shape_cast %parallel_loop3A_334 : vector<1x1x16xf32> to vector<16xf32>
        %parallel_loop3A_336 = vector.shape_cast %parallel_loop3A_329 : vector<16xf32> to vector<1x1x16xf32>
        tpu.vector_store %arg6[%parallel_loop3A_331, %parallel_loop3A_332, %parallel_loop3A_333], %parallel_loop3A_336 {add = true, strides = array<i32>} : memref<4x4x4096xf32, #tpu.memory_space<vmem>>, vector<1x1x16xf32>,
      } {sc.loop_unroll_factor = 8 : i64, sc.parallel_access}
      %jit3A_241 = arith.constant 2 : i32
      %div3A_242 = arith.divsi %scan3A_132, %jit3A_241 : i32
      %sign3A_243 = arith.constant 0 : i32
      %sign3A_244 = arith.cmpi sgt, %scan3A_132, %sign3A_243 : i32
      %sign3A_245 = arith.extui %sign3A_244 : i1 to i32
      %sign3A_246 = arith.constant 0 : i32
      %sign3A_247 = arith.cmpi slt, %scan3A_132, %sign3A_246 : i32
      %sign3A_248 = arith.extui %sign3A_247 : i1 to i32
      %sign3A_249 = arith.subi %sign3A_245, %sign3A_248 : i32
      %sign3A_250 = arith.constant 0 : i32
      %sign3A_251 = arith.cmpi sgt, %jit3A_241, %sign3A_250 : i32
      %sign3A_252 = arith.extui %sign3A_251 : i1 to i32
      %sign3A_253 = arith.constant 0 : i32
      %sign3A_254 = arith.cmpi slt, %jit3A_241, %sign3A_253 : i32
      %sign3A_255 = arith.extui %sign3A_254 : i1 to i32
      %sign3A_256 = arith.subi %sign3A_252, %sign3A_255 : i32
      %ne3A_257 = arith.cmpi ne, %sign3A_249, %sign3A_256 : i32
      %rem3A_258 = arith.remsi %scan3A_132, %jit3A_241 : i32
      %ne3A_259 = arith.constant 0 : i32
      %ne3A_260 = arith.cmpi ne, %rem3A_258, %ne3A_259 : i32
      %and3A_261 = arith.andi %ne3A_257, %ne3A_260 : i1
      %sub3A_262 = arith.constant 1 : i32
      %sub3A_263 = arith.subi %div3A_242, %sub3A_262 : i32
      %select_n3A_264 = arith.select %and3A_261, %sub3A_263, %div3A_242 : i32
      %jit3A_265 = arith.constant 2 : i32
      %eq3A_266 = arith.constant 0 : i32
      %eq3A_267 = arith.cmpi eq, %jit3A_265, %eq3A_266 : i32
      %jit3A_268 = arith.constant 1 : i32
      %select_n3A_269 = arith.select %eq3A_267, %jit3A_268, %jit3A_265 : i32
      %rem3A_270 = arith.remsi %scan3A_132, %select_n3A_269 : i32
      %ne3A_271 = arith.constant 0 : i32
      %ne3A_272 = arith.cmpi ne, %rem3A_270, %ne3A_271 : i32
      %lt3A_273 = arith.constant 0 : i32
      %lt3A_274 = arith.cmpi slt, %rem3A_270, %lt3A_273 : i32
      %lt3A_275 = arith.constant 0 : i32
      %lt3A_276 = arith.cmpi slt, %select_n3A_269, %lt3A_275 : i32
      %ne3A_277 = arith.xori %lt3A_274, %lt3A_276 : i1
      %and3A_278 = arith.andi %ne3A_277, %ne3A_272 : i1
      %add3A_279 = arith.addi %rem3A_270, %select_n3A_269 : i32
      %select_n3A_280 = arith.select %and3A_278, %add3A_279, %rem3A_270 : i32
      %jit3A_281 = arith.constant 4 : i32
      %eq3A_282 = arith.constant 0 : i32
      %eq3A_283 = arith.cmpi eq, %jit3A_281, %eq3A_282 : i32
      %jit3A_284 = arith.constant 1 : i32
      %select_n3A_285 = arith.select %eq3A_283, %jit3A_284, %jit3A_281 : i32
      %rem3A_286 = arith.remsi %scan3A_132, %select_n3A_285 : i32
      %ne3A_287 = arith.constant 0 : i32
      %ne3A_288 = arith.cmpi ne, %rem3A_286, %ne3A_287 : i32
      %lt3A_289 = arith.constant 0 : i32
      %lt3A_290 = arith.cmpi slt, %rem3A_286, %lt3A_289 : i32
      %lt3A_291 = arith.constant 0 : i32
      %lt3A_292 = arith.cmpi slt, %select_n3A_285, %lt3A_291 : i32
      %ne3A_293 = arith.xori %lt3A_290, %lt3A_292 : i1
      %and3A_294 = arith.andi %ne3A_293, %ne3A_288 : i1
      %add3A_295 = arith.addi %rem3A_286, %select_n3A_285 : i32
      %select_n3A_296 = arith.select %and3A_294, %add3A_295, %rem3A_286 : i32
      %mul3A_297 = arith.constant 4 : i32
      %mul3A_298 = arith.muli %select_n3A_280, %mul3A_297 : i32
      %add3A_299 = arith.addi %mul3A_2, %mul3A_298 : i32
      %dma_start3A_300 = arith.constant 0 : i32
      %dma_start3A_301 = arith.constant 0 : i32
      %dma_start3A_302 = tpu.memref_slice %arg6[%select_n3A_296, %dma_start3A_300, %dma_start3A_301] : memref<4x4x4096xf32, #tpu.memory_space<vmem>> -> memref<1x4x4096xf32, #tpu.memory_space<vmem>>
      %dma_start3A_303 = tpu.memref_squeeze %dma_start3A_302 : memref<1x4x4096xf32, #tpu.memory_space<vmem>> -> memref<4x4096xf32, #tpu.memory_space<vmem>>
      %dma_start3A_304 = arith.constant 0 : i32
      %dma_start3A_305 = tpu.memref_slice %arg4[%select_n3A_264, %add3A_299, %dma_start3A_304] : memref<16x256x4096xf32, #tpu.memory_space<hbm>> -> memref<1x4x4096xf32, #tpu.memory_space<hbm>>
      %dma_start3A_306 = tpu.memref_squeeze %dma_start3A_305 : memref<1x4x4096xf32, #tpu.memory_space<hbm>> -> memref<4x4096xf32, #tpu.memory_space<hbm>>
      %dma_start3A_307 = tpu.memref_slice %arg8[%select_n3A_296] : memref<4x!tpu.dma_semaphore, #tpu.memory_space<semaphore_mem>> -> memref<1x!tpu.dma_semaphore, #tpu.memory_space<semaphore_mem>>
      %dma_start3A_308 = tpu.memref_squeeze %dma_start3A_307 : memref<1x!tpu.dma_semaphore, #tpu.memory_space<semaphore_mem>> -> memref<!tpu.dma_semaphore, #tpu.memory_space<semaphore_mem>>
      %dma_start3A_309 = arith.constant 0 : i32
      %dma_start3A_310 = tpu.memref_slice %arg4[%select_n3A_264, %add3A_299, %dma_start3A_309] : memref<16x256x4096xf32, #tpu.memory_space<hbm>> -> memref<1x4x4096xf32, #tpu.memory_space<hbm>>
      %dma_start3A_311 = tpu.memref_squeeze %dma_start3A_310 : memref<1x4x4096xf32, #tpu.memory_space<hbm>> -> memref<4x4096xf32, #tpu.memory_space<hbm>>
      %dma_start3A_312 = arith.constant 0 : i32
      %dma_start3A_313 = arith.constant 0 : i32
      %dma_start3A_314 = tpu.memref_slice %arg6[%select_n3A_296, %dma_start3A_312, %dma_start3A_313] : memref<4x4x4096xf32, #tpu.memory_space<vmem>> -> memref<1x4x4096xf32, #tpu.memory_space<vmem>>
      %dma_start3A_315 = tpu.memref_squeeze %dma_start3A_314 : memref<1x4x4096xf32, #tpu.memory_space<vmem>> -> memref<4x4096xf32, #tpu.memory_space<vmem>>
      tpu.enqueue_dma source(%dma_start3A_315 : memref<4x4096xf32, #tpu.memory_space<vmem>>) target(%dma_start3A_311 : memref<4x4096xf32, #tpu.memory_space<hbm>>) target_semaphore(%dma_start3A_308 : memref<!tpu.dma_semaphore, #tpu.memory_space<semaphore_mem>>)
      %add3A_316 = arith.constant 2 : i32
      %add3A_317 = arith.addi %scan3A_132, %add3A_316 : i32
      %lt3A_318 = arith.constant 32 : i32
      %lt3A_319 = arith.cmpi slt, %add3A_317, %lt3A_318 : i32
      %convert_element_type3A = arith.extui %lt3A_319 : i1 to i32
      %cond3A = arith.constant 0 : i32
      %cond3A_320 = arith.cmpi ne, %convert_element_type3A, %cond3A : i32
      scf.if %cond3A_320 {
        %ge3A = arith.constant 2 : i32
        %ge3A_321 = arith.cmpi sge, %scan3A_132, %ge3A : i32
        %convert_element_type3A_322 = arith.extui %ge3A_321 : i1 to i32
        %cond3A_323 = arith.constant 0 : i32
        %cond3A_324 = arith.cmpi ne, %convert_element_type3A_322, %cond3A_323 : i32
        scf.if %cond3A_324 {
          %sub3A_402 = arith.constant 2 : i32
          %sub3A_403 = arith.subi %scan3A_132, %sub3A_402 : i32
          %jit3A_404 = arith.constant 2 : i32
          %div3A_405 = arith.divsi %sub3A_403, %jit3A_404 : i32
          %sign3A_406 = arith.constant 0 : i32
          %sign3A_407 = arith.cmpi sgt, %sub3A_403, %sign3A_406 : i32
          %sign3A_408 = arith.extui %sign3A_407 : i1 to i32
          %sign3A_409 = arith.constant 0 : i32
          %sign3A_410 = arith.cmpi slt, %sub3A_403, %sign3A_409 : i32
          %sign3A_411 = arith.extui %sign3A_410 : i1 to i32
          %sign3A_412 = arith.subi %sign3A_408, %sign3A_411 : i32
          %sign3A_413 = arith.constant 0 : i32
          %sign3A_414 = arith.cmpi sgt, %jit3A_404, %sign3A_413 : i32
          %sign3A_415 = arith.extui %sign3A_414 : i1 to i32
          %sign3A_416 = arith.constant 0 : i32
          %sign3A_417 = arith.cmpi slt, %jit3A_404, %sign3A_416 : i32
          %sign3A_418 = arith.extui %sign3A_417 : i1 to i32
          %sign3A_419 = arith.subi %sign3A_415, %sign3A_418 : i32
          %ne3A_420 = arith.cmpi ne, %sign3A_412, %sign3A_419 : i32
          %rem3A_421 = arith.remsi %sub3A_403, %jit3A_404 : i32
          %ne3A_422 = arith.constant 0 : i32
          %ne3A_423 = arith.cmpi ne, %rem3A_421, %ne3A_422 : i32
          %and3A_424 = arith.andi %ne3A_420, %ne3A_423 : i1
          %sub3A_425 = arith.constant 1 : i32
          %sub3A_426 = arith.subi %div3A_405, %sub3A_425 : i32
          %select_n3A_427 = arith.select %and3A_424, %sub3A_426, %div3A_405 : i32
          %jit3A_428 = arith.constant 2 : i32
          %eq3A_429 = arith.constant 0 : i32
          %eq3A_430 = arith.cmpi eq, %jit3A_428, %eq3A_429 : i32
          %jit3A_431 = arith.constant 1 : i32
          %select_n3A_432 = arith.select %eq3A_430, %jit3A_431, %jit3A_428 : i32
          %rem3A_433 = arith.remsi %sub3A_403, %select_n3A_432 : i32
          %ne3A_434 = arith.constant 0 : i32
          %ne3A_435 = arith.cmpi ne, %rem3A_433, %ne3A_434 : i32
          %lt3A_436 = arith.constant 0 : i32
          %lt3A_437 = arith.cmpi slt, %rem3A_433, %lt3A_436 : i32
          %lt3A_438 = arith.constant 0 : i32
          %lt3A_439 = arith.cmpi slt, %select_n3A_432, %lt3A_438 : i32
          %ne3A_440 = arith.xori %lt3A_437, %lt3A_439 : i1
          %and3A_441 = arith.andi %ne3A_440, %ne3A_435 : i1
          %add3A_442 = arith.addi %rem3A_433, %select_n3A_432 : i32
          %select_n3A_443 = arith.select %and3A_441, %add3A_442, %rem3A_433 : i32
          %jit3A_444 = arith.constant 4 : i32
          %eq3A_445 = arith.constant 0 : i32
          %eq3A_446 = arith.cmpi eq, %jit3A_444, %eq3A_445 : i32
          %jit3A_447 = arith.constant 1 : i32
          %select_n3A_448 = arith.select %eq3A_446, %jit3A_447, %jit3A_444 : i32
          %rem3A_449 = arith.remsi %sub3A_403, %select_n3A_448 : i32
          %ne3A_450 = arith.constant 0 : i32
          %ne3A_451 = arith.cmpi ne, %rem3A_449, %ne3A_450 : i32
          %lt3A_452 = arith.constant 0 : i32
          %lt3A_453 = arith.cmpi slt, %rem3A_449, %lt3A_452 : i32
          %lt3A_454 = arith.constant 0 : i32
          %lt3A_455 = arith.cmpi slt, %select_n3A_448, %lt3A_454 : i32
          %ne3A_456 = arith.xori %lt3A_453, %lt3A_455 : i1
          %and3A_457 = arith.andi %ne3A_456, %ne3A_451 : i1
          %add3A_458 = arith.addi %rem3A_449, %select_n3A_448 : i32
          %select_n3A_459 = arith.select %and3A_457, %add3A_458, %rem3A_449 : i32
          %mul3A_460 = arith.constant 4 : i32
          %mul3A_461 = arith.muli %select_n3A_443, %mul3A_460 : i32
          %add3A_462 = arith.addi %mul3A_2, %mul3A_461 : i32
          %dma_wait3A_463 = arith.constant 0 : i32
          %dma_wait3A_464 = arith.constant 0 : i32
          %dma_wait3A_465 = tpu.memref_slice %arg6[%select_n3A_459, %dma_wait3A_463, %dma_wait3A_464] : memref<4x4x4096xf32, #tpu.memory_space<vmem>> -> memref<1x4x4096xf32, #tpu.memory_space<vmem>>
          %dma_wait3A_466 = tpu.memref_squeeze %dma_wait3A_465 : memref<1x4x4096xf32, #tpu.memory_space<vmem>> -> memref<4x4096xf32, #tpu.memory_space<vmem>>
          %dma_wait3A_467 = arith.constant 0 : i32
          %dma_wait3A_468 = tpu.memref_slice %arg4[%select_n3A_427, %add3A_462, %dma_wait3A_467] : memref<16x256x4096xf32, #tpu.memory_space<hbm>> -> memref<1x4x4096xf32, #tpu.memory_space<hbm>>
          %dma_wait3A_469 = tpu.memref_squeeze %dma_wait3A_468 : memref<1x4x4096xf32, #tpu.memory_space<hbm>> -> memref<4x4096xf32, #tpu.memory_space<hbm>>
          %dma_wait3A_470 = tpu.memref_slice %arg8[%select_n3A_459] : memref<4x!tpu.dma_semaphore, #tpu.memory_space<semaphore_mem>> -> memref<1x!tpu.dma_semaphore, #tpu.memory_space<semaphore_mem>>
          %dma_wait3A_471 = tpu.memref_squeeze %dma_wait3A_470 : memref<1x!tpu.dma_semaphore, #tpu.memory_space<semaphore_mem>> -> memref<!tpu.dma_semaphore, #tpu.memory_space<semaphore_mem>>
          %dma_wait3A_472 = arith.constant 0 : i32
          %dma_wait3A_473 = tpu.memref_slice %arg4[%select_n3A_427, %add3A_462, %dma_wait3A_472] : memref<16x256x4096xf32, #tpu.memory_space<hbm>> -> memref<1x4x4096xf32, #tpu.memory_space<hbm>>
          %dma_wait3A_474 = tpu.memref_squeeze %dma_wait3A_473 : memref<1x4x4096xf32, #tpu.memory_space<hbm>> -> memref<4x4096xf32, #tpu.memory_space<hbm>>
          %dma_wait3A_475 = arith.constant 0 : i32
          %dma_wait3A_476 = arith.constant 0 : i32
          %dma_wait3A_477 = tpu.memref_slice %arg6[%select_n3A_459, %dma_wait3A_475, %dma_wait3A_476] : memref<4x4x4096xf32, #tpu.memory_space<vmem>> -> memref<1x4x4096xf32, #tpu.memory_space<vmem>>
          %dma_wait3A_478 = tpu.memref_squeeze %dma_wait3A_477 : memref<1x4x4096xf32, #tpu.memory_space<vmem>> -> memref<4x4096xf32, #tpu.memory_space<vmem>>
          tpu.wait_dma2 semaphore(%dma_wait3A_471 : memref<!tpu.dma_semaphore, #tpu.memory_space<semaphore_mem>>) src(%dma_wait3A_478 : memref<4x4096xf32, #tpu.memory_space<vmem>>) dst(%dma_wait3A_474 : memref<4x4096xf32, #tpu.memory_space<hbm>>)
        } else {
        }
        %add3A_325 = arith.constant 2 : i32
        %add3A_326 = arith.addi %scan3A_132, %add3A_325 : i32
        %jit3A_327 = arith.constant 2 : i32
        %div3A_328 = arith.divsi %add3A_326, %jit3A_327 : i32
        %sign3A_329 = arith.constant 0 : i32
        %sign3A_330 = arith.cmpi sgt, %add3A_326, %sign3A_329 : i32
        %sign3A_331 = arith.extui %sign3A_330 : i1 to i32
        %sign3A_332 = arith.constant 0 : i32
        %sign3A_333 = arith.cmpi slt, %add3A_326, %sign3A_332 : i32
        %sign3A_334 = arith.extui %sign3A_333 : i1 to i32
        %sign3A_335 = arith.subi %sign3A_331, %sign3A_334 : i32
        %sign3A_336 = arith.constant 0 : i32
        %sign3A_337 = arith.cmpi sgt, %jit3A_327, %sign3A_336 : i32
        %sign3A_338 = arith.extui %sign3A_337 : i1 to i32
        %sign3A_339 = arith.constant 0 : i32
        %sign3A_340 = arith.cmpi slt, %jit3A_327, %sign3A_339 : i32
        %sign3A_341 = arith.extui %sign3A_340 : i1 to i32
        %sign3A_342 = arith.subi %sign3A_338, %sign3A_341 : i32
        %ne3A_343 = arith.cmpi ne, %sign3A_335, %sign3A_342 : i32
        %rem3A_344 = arith.remsi %add3A_326, %jit3A_327 : i32
        %ne3A_345 = arith.constant 0 : i32
        %ne3A_346 = arith.cmpi ne, %rem3A_344, %ne3A_345 : i32
        %and3A_347 = arith.andi %ne3A_343, %ne3A_346 : i1
        %sub3A_348 = arith.constant 1 : i32
        %sub3A_349 = arith.subi %div3A_328, %sub3A_348 : i32
        %select_n3A_350 = arith.select %and3A_347, %sub3A_349, %div3A_328 : i32
        %jit3A_351 = arith.constant 2 : i32
        %eq3A_352 = arith.constant 0 : i32
        %eq3A_353 = arith.cmpi eq, %jit3A_351, %eq3A_352 : i32
        %jit3A_354 = arith.constant 1 : i32
        %select_n3A_355 = arith.select %eq3A_353, %jit3A_354, %jit3A_351 : i32
        %rem3A_356 = arith.remsi %add3A_326, %select_n3A_355 : i32
        %ne3A_357 = arith.constant 0 : i32
        %ne3A_358 = arith.cmpi ne, %rem3A_356, %ne3A_357 : i32
        %lt3A_359 = arith.constant 0 : i32
        %lt3A_360 = arith.cmpi slt, %rem3A_356, %lt3A_359 : i32
        %lt3A_361 = arith.constant 0 : i32
        %lt3A_362 = arith.cmpi slt, %select_n3A_355, %lt3A_361 : i32
        %ne3A_363 = arith.xori %lt3A_360, %lt3A_362 : i1
        %and3A_364 = arith.andi %ne3A_363, %ne3A_358 : i1
        %add3A_365 = arith.addi %rem3A_356, %select_n3A_355 : i32
        %select_n3A_366 = arith.select %and3A_364, %add3A_365, %rem3A_356 : i32
        %jit3A_367 = arith.constant 4 : i32
        %eq3A_368 = arith.constant 0 : i32
        %eq3A_369 = arith.cmpi eq, %jit3A_367, %eq3A_368 : i32
        %jit3A_370 = arith.constant 1 : i32
        %select_n3A_371 = arith.select %eq3A_369, %jit3A_370, %jit3A_367 : i32
        %rem3A_372 = arith.remsi %add3A_326, %select_n3A_371 : i32
        %ne3A_373 = arith.constant 0 : i32
        %ne3A_374 = arith.cmpi ne, %rem3A_372, %ne3A_373 : i32
        %lt3A_375 = arith.constant 0 : i32
        %lt3A_376 = arith.cmpi slt, %rem3A_372, %lt3A_375 : i32
        %lt3A_377 = arith.constant 0 : i32
        %lt3A_378 = arith.cmpi slt, %select_n3A_371, %lt3A_377 : i32
        %ne3A_379 = arith.xori %lt3A_376, %lt3A_378 : i1
        %and3A_380 = arith.andi %ne3A_379, %ne3A_374 : i1
        %add3A_381 = arith.addi %rem3A_372, %select_n3A_371 : i32
        %select_n3A_382 = arith.select %and3A_380, %add3A_381, %rem3A_372 : i32
        %mul3A_383 = arith.constant 4 : i32
        %mul3A_384 = arith.muli %select_n3A_366, %mul3A_383 : i32
        %add3A_385 = arith.addi %mul3A_2, %mul3A_384 : i32
        %dma_start3A_386 = arith.constant 0 : i32
        %dma_start3A_387 = arith.constant 0 : i32
        %dma_start3A_388 = tpu.memref_slice %arg6[%select_n3A_382, %dma_start3A_386, %dma_start3A_387] : memref<4x4x4096xf32, #tpu.memory_space<vmem>> -> memref<1x4x4096xf32, #tpu.memory_space<vmem>>
        %dma_start3A_389 = tpu.memref_squeeze %dma_start3A_388 : memref<1x4x4096xf32, #tpu.memory_space<vmem>> -> memref<4x4096xf32, #tpu.memory_space<vmem>>
        %dma_start3A_390 = arith.constant 0 : i32
        %dma_start3A_391 = tpu.memref_slice %arg2[%select_n3A_350, %add3A_385, %dma_start3A_390] : memref<16x256x4096xf32, #tpu.memory_space<hbm>> -> memref<1x4x4096xf32, #tpu.memory_space<hbm>>
        %dma_start3A_392 = tpu.memref_squeeze %dma_start3A_391 : memref<1x4x4096xf32, #tpu.memory_space<hbm>> -> memref<4x4096xf32, #tpu.memory_space<hbm>>
        %dma_start3A_393 = tpu.memref_slice %arg7[%select_n3A_382] : memref<4x!tpu.dma_semaphore, #tpu.memory_space<semaphore_mem>> -> memref<1x!tpu.dma_semaphore, #tpu.memory_space<semaphore_mem>>
        %dma_start3A_394 = tpu.memref_squeeze %dma_start3A_393 : memref<1x!tpu.dma_semaphore, #tpu.memory_space<semaphore_mem>> -> memref<!tpu.dma_semaphore, #tpu.memory_space<semaphore_mem>>
        %dma_start3A_395 = arith.constant 0 : i32
        %dma_start3A_396 = arith.constant 0 : i32
        %dma_start3A_397 = tpu.memref_slice %arg6[%select_n3A_382, %dma_start3A_395, %dma_start3A_396] : memref<4x4x4096xf32, #tpu.memory_space<vmem>> -> memref<1x4x4096xf32, #tpu.memory_space<vmem>>
        %dma_start3A_398 = tpu.memref_squeeze %dma_start3A_397 : memref<1x4x4096xf32, #tpu.memory_space<vmem>> -> memref<4x4096xf32, #tpu.memory_space<vmem>>
        %dma_start3A_399 = arith.constant 0 : i32
        %dma_start3A_400 = tpu.memref_slice %arg2[%select_n3A_350, %add3A_385, %dma_start3A_399] : memref<16x256x4096xf32, #tpu.memory_space<hbm>> -> memref<1x4x4096xf32, #tpu.memory_space<hbm>>
        %dma_start3A_401 = tpu.memref_squeeze %dma_start3A_400 : memref<1x4x4096xf32, #tpu.memory_space<hbm>> -> memref<4x4096xf32, #tpu.memory_space<hbm>>
        tpu.enqueue_dma source(%dma_start3A_401 : memref<4x4096xf32, #tpu.memory_space<hbm>>) target(%dma_start3A_398 : memref<4x4096xf32, #tpu.memory_space<vmem>>) target_semaphore(%dma_start3A_394 : memref<!tpu.dma_semaphore, #tpu.memory_space<semaphore_mem>>)
      } else {
      }
    }
    %scan3A_48 = arith.constant 32 : i32
    %add3A_49 = arith.constant 0 : i32
    %add3A_50 = arith.addi %mul3A_2, %add3A_49 : i32
    %dma_wait3A = arith.constant 0 : i32
    %dma_wait3A_51 = arith.constant 14 : i32
    %dma_wait3A_52 = arith.constant 0 : i32
    %dma_wait3A_53 = arith.constant 0 : i32
    %dma_wait3A_54 = arith.constant 0 : i32
    %dma_wait3A_55 = tpu.memref_slice %arg6[%dma_wait3A, %dma_wait3A_53, %dma_wait3A_54] : memref<4x4x4096xf32, #tpu.memory_space<vmem>> -> memref<1x4x4096xf32, #tpu.memory_space<vmem>>
    %dma_wait3A_56 = tpu.memref_squeeze %dma_wait3A_55 : memref<1x4x4096xf32, #tpu.memory_space<vmem>> -> memref<4x4096xf32, #tpu.memory_space<vmem>>
    %dma_wait3A_57 = arith.constant 0 : i32
    %dma_wait3A_58 = tpu.memref_slice %arg4[%dma_wait3A_51, %add3A_50, %dma_wait3A_57] : memref<16x256x4096xf32, #tpu.memory_space<hbm>> -> memref<1x4x4096xf32, #tpu.memory_space<hbm>>
    %dma_wait3A_59 = tpu.memref_squeeze %dma_wait3A_58 : memref<1x4x4096xf32, #tpu.memory_space<hbm>> -> memref<4x4096xf32, #tpu.memory_space<hbm>>
    %dma_wait3A_60 = tpu.memref_slice %arg8[%dma_wait3A_52] : memref<4x!tpu.dma_semaphore, #tpu.memory_space<semaphore_mem>> -> memref<1x!tpu.dma_semaphore, #tpu.memory_space<semaphore_mem>>
    %dma_wait3A_61 = tpu.memref_squeeze %dma_wait3A_60 : memref<1x!tpu.dma_semaphore, #tpu.memory_space<semaphore_mem>> -> memref<!tpu.dma_semaphore, #tpu.memory_space<semaphore_mem>>
    %dma_wait3A_62 = arith.constant 0 : i32
    %dma_wait3A_63 = tpu.memref_slice %arg4[%dma_wait3A_51, %add3A_50, %dma_wait3A_62] : memref<16x256x4096xf32, #tpu.memory_space<hbm>> -> memref<1x4x4096xf32, #tpu.memory_space<hbm>>
    %dma_wait3A_64 = tpu.memref_squeeze %dma_wait3A_63 : memref<1x4x4096xf32, #tpu.memory_space<hbm>> -> memref<4x4096xf32, #tpu.memory_space<hbm>>
    %dma_wait3A_65 = arith.constant 0 : i32
    %dma_wait3A_66 = arith.constant 0 : i32
    %dma_wait3A_67 = tpu.memref_slice %arg6[%dma_wait3A, %dma_wait3A_65, %dma_wait3A_66] : memref<4x4x4096xf32, #tpu.memory_space<vmem>> -> memref<1x4x4096xf32, #tpu.memory_space<vmem>>
    %dma_wait3A_68 = tpu.memref_squeeze %dma_wait3A_67 : memref<1x4x4096xf32, #tpu.memory_space<vmem>> -> memref<4x4096xf32, #tpu.memory_space<vmem>>
    tpu.wait_dma2 semaphore(%dma_wait3A_61 : memref<!tpu.dma_semaphore, #tpu.memory_space<semaphore_mem>>) src(%dma_wait3A_68 : memref<4x4096xf32, #tpu.memory_space<vmem>>) dst(%dma_wait3A_64 : memref<4x4096xf32, #tpu.memory_space<hbm>>)
    %add3A_69 = arith.constant 4 : i32
    %add3A_70 = arith.addi %mul3A_2, %add3A_69 : i32
    %dma_wait3A_71 = arith.constant 1 : i32
    %dma_wait3A_72 = arith.constant 14 : i32
    %dma_wait3A_73 = arith.constant 1 : i32
    %dma_wait3A_74 = arith.constant 0 : i32
    %dma_wait3A_75 = arith.constant 0 : i32
    %dma_wait3A_76 = tpu.memref_slice %arg6[%dma_wait3A_71, %dma_wait3A_74, %dma_wait3A_75] : memref<4x4x4096xf32, #tpu.memory_space<vmem>> -> memref<1x4x4096xf32, #tpu.memory_space<vmem>>
    %dma_wait3A_77 = tpu.memref_squeeze %dma_wait3A_76 : memref<1x4x4096xf32, #tpu.memory_space<vmem>> -> memref<4x4096xf32, #tpu.memory_space<vmem>>
    %dma_wait3A_78 = arith.constant 0 : i32
    %dma_wait3A_79 = tpu.memref_slice %arg4[%dma_wait3A_72, %add3A_70, %dma_wait3A_78] : memref<16x256x4096xf32, #tpu.memory_space<hbm>> -> memref<1x4x4096xf32, #tpu.memory_space<hbm>>
    %dma_wait3A_80 = tpu.memref_squeeze %dma_wait3A_79 : memref<1x4x4096xf32, #tpu.memory_space<hbm>> -> memref<4x4096xf32, #tpu.memory_space<hbm>>
    %dma_wait3A_81 = tpu.memref_slice %arg8[%dma_wait3A_73] : memref<4x!tpu.dma_semaphore, #tpu.memory_space<semaphore_mem>> -> memref<1x!tpu.dma_semaphore, #tpu.memory_space<semaphore_mem>>
    %dma_wait3A_82 = tpu.memref_squeeze %dma_wait3A_81 : memref<1x!tpu.dma_semaphore, #tpu.memory_space<semaphore_mem>> -> memref<!tpu.dma_semaphore, #tpu.memory_space<semaphore_mem>>
    %dma_wait3A_83 = arith.constant 0 : i32
    %dma_wait3A_84 = tpu.memref_slice %arg4[%dma_wait3A_72, %add3A_70, %dma_wait3A_83] : memref<16x256x4096xf32, #tpu.memory_space<hbm>> -> memref<1x4x4096xf32, #tpu.memory_space<hbm>>
    %dma_wait3A_85 = tpu.memref_squeeze %dma_wait3A_84 : memref<1x4x4096xf32, #tpu.memory_space<hbm>> -> memref<4x4096xf32, #tpu.memory_space<hbm>>
    %dma_wait3A_86 = arith.constant 0 : i32
    %dma_wait3A_87 = arith.constant 0 : i32
    %dma_wait3A_88 = tpu.memref_slice %arg6[%dma_wait3A_71, %dma_wait3A_86, %dma_wait3A_87] : memref<4x4x4096xf32, #tpu.memory_space<vmem>> -> memref<1x4x4096xf32, #tpu.memory_space<vmem>>
    %dma_wait3A_89 = tpu.memref_squeeze %dma_wait3A_88 : memref<1x4x4096xf32, #tpu.memory_space<vmem>> -> memref<4x4096xf32, #tpu.memory_space<vmem>>
    tpu.wait_dma2 semaphore(%dma_wait3A_82 : memref<!tpu.dma_semaphore, #tpu.memory_space<semaphore_mem>>) src(%dma_wait3A_89 : memref<4x4096xf32, #tpu.memory_space<vmem>>) dst(%dma_wait3A_85 : memref<4x4096xf32, #tpu.memory_space<hbm>>)
    %add3A_90 = arith.constant 0 : i32
    %add3A_91 = arith.addi %mul3A_2, %add3A_90 : i32
    %dma_wait3A_92 = arith.constant 2 : i32
    %dma_wait3A_93 = arith.constant 15 : i32
    %dma_wait3A_94 = arith.constant 2 : i32
    %dma_wait3A_95 = arith.constant 0 : i32
    %dma_wait3A_96 = arith.constant 0 : i32
    %dma_wait3A_97 = tpu.memref_slice %arg6[%dma_wait3A_92, %dma_wait3A_95, %dma_wait3A_96] : memref<4x4x4096xf32, #tpu.memory_space<vmem>> -> memref<1x4x4096xf32, #tpu.memory_space<vmem>>
    %dma_wait3A_98 = tpu.memref_squeeze %dma_wait3A_97 : memref<1x4x4096xf32, #tpu.memory_space<vmem>> -> memref<4x4096xf32, #tpu.memory_space<vmem>>
    %dma_wait3A_99 = arith.constant 0 : i32
    %dma_wait3A_100 = tpu.memref_slice %arg4[%dma_wait3A_93, %add3A_91, %dma_wait3A_99] : memref<16x256x4096xf32, #tpu.memory_space<hbm>> -> memref<1x4x4096xf32, #tpu.memory_space<hbm>>
    %dma_wait3A_101 = tpu.memref_squeeze %dma_wait3A_100 : memref<1x4x4096xf32, #tpu.memory_space<hbm>> -> memref<4x4096xf32, #tpu.memory_space<hbm>>
    %dma_wait3A_102 = tpu.memref_slice %arg8[%dma_wait3A_94] : memref<4x!tpu.dma_semaphore, #tpu.memory_space<semaphore_mem>> -> memref<1x!tpu.dma_semaphore, #tpu.memory_space<semaphore_mem>>
    %dma_wait3A_103 = tpu.memref_squeeze %dma_wait3A_102 : memref<1x!tpu.dma_semaphore, #tpu.memory_space<semaphore_mem>> -> memref<!tpu.dma_semaphore, #tpu.memory_space<semaphore_mem>>
    %dma_wait3A_104 = arith.constant 0 : i32
    %dma_wait3A_105 = tpu.memref_slice %arg4[%dma_wait3A_93, %add3A_91, %dma_wait3A_104] : memref<16x256x4096xf32, #tpu.memory_space<hbm>> -> memref<1x4x4096xf32, #tpu.memory_space<hbm>>
    %dma_wait3A_106 = tpu.memref_squeeze %dma_wait3A_105 : memref<1x4x4096xf32, #tpu.memory_space<hbm>> -> memref<4x4096xf32, #tpu.memory_space<hbm>>
    %dma_wait3A_107 = arith.constant 0 : i32
    %dma_wait3A_108 = arith.constant 0 : i32
    %dma_wait3A_109 = tpu.memref_slice %arg6[%dma_wait3A_92, %dma_wait3A_107, %dma_wait3A_108] : memref<4x4x4096xf32, #tpu.memory_space<vmem>> -> memref<1x4x4096xf32, #tpu.memory_space<vmem>>
    %dma_wait3A_110 = tpu.memref_squeeze %dma_wait3A_109 : memref<1x4x4096xf32, #tpu.memory_space<vmem>> -> memref<4x4096xf32, #tpu.memory_space<vmem>>
    tpu.wait_dma2 semaphore(%dma_wait3A_103 : memref<!tpu.dma_semaphore, #tpu.memory_space<semaphore_mem>>) src(%dma_wait3A_110 : memref<4x4096xf32, #tpu.memory_space<vmem>>) dst(%dma_wait3A_106 : memref<4x4096xf32, #tpu.memory_space<hbm>>)
    %add3A_111 = arith.constant 4 : i32
    %add3A_112 = arith.addi %mul3A_2, %add3A_111 : i32
    %dma_wait3A_113 = arith.constant 3 : i32
    %dma_wait3A_114 = arith.constant 15 : i32
    %dma_wait3A_115 = arith.constant 3 : i32
    %dma_wait3A_116 = arith.constant 0 : i32
    %dma_wait3A_117 = arith.constant 0 : i32
    %dma_wait3A_118 = tpu.memref_slice %arg6[%dma_wait3A_113, %dma_wait3A_116, %dma_wait3A_117] : memref<4x4x4096xf32, #tpu.memory_space<vmem>> -> memref<1x4x4096xf32, #tpu.memory_space<vmem>>
    %dma_wait3A_119 = tpu.memref_squeeze %dma_wait3A_118 : memref<1x4x4096xf32, #tpu.memory_space<vmem>> -> memref<4x4096xf32, #tpu.memory_space<vmem>>
    %dma_wait3A_120 = arith.constant 0 : i32
    %dma_wait3A_121 = tpu.memref_slice %arg4[%dma_wait3A_114, %add3A_112, %dma_wait3A_120] : memref<16x256x4096xf32, #tpu.memory_space<hbm>> -> memref<1x4x4096xf32, #tpu.memory_space<hbm>>
    %dma_wait3A_122 = tpu.memref_squeeze %dma_wait3A_121 : memref<1x4x4096xf32, #tpu.memory_space<hbm>> -> memref<4x4096xf32, #tpu.memory_space<hbm>>
    %dma_wait3A_123 = tpu.memref_slice %arg8[%dma_wait3A_115] : memref<4x!tpu.dma_semaphore, #tpu.memory_space<semaphore_mem>> -> memref<1x!tpu.dma_semaphore, #tpu.memory_space<semaphore_mem>>
    %dma_wait3A_124 = tpu.memref_squeeze %dma_wait3A_123 : memref<1x!tpu.dma_semaphore, #tpu.memory_space<semaphore_mem>> -> memref<!tpu.dma_semaphore, #tpu.memory_space<semaphore_mem>>
    %dma_wait3A_125 = arith.constant 0 : i32
    %dma_wait3A_126 = tpu.memref_slice %arg4[%dma_wait3A_114, %add3A_112, %dma_wait3A_125] : memref<16x256x4096xf32, #tpu.memory_space<hbm>> -> memref<1x4x4096xf32, #tpu.memory_space<hbm>>
    %dma_wait3A_127 = tpu.memref_squeeze %dma_wait3A_126 : memref<1x4x4096xf32, #tpu.memory_space<hbm>> -> memref<4x4096xf32, #tpu.memory_space<hbm>>
    %dma_wait3A_128 = arith.constant 0 : i32
    %dma_wait3A_129 = arith.constant 0 : i32
    %dma_wait3A_130 = tpu.memref_slice %arg6[%dma_wait3A_113, %dma_wait3A_128, %dma_wait3A_129] : memref<4x4x4096xf32, #tpu.memory_space<vmem>> -> memref<1x4x4096xf32, #tpu.memory_space<vmem>>
    %dma_wait3A_131 = tpu.memref_squeeze %dma_wait3A_130 : memref<1x4x4096xf32, #tpu.memory_space<vmem>> -> memref<4x4096xf32, #tpu.memory_space<vmem>>
    tpu.wait_dma2 semaphore(%dma_wait3A_124 : memref<!tpu.dma_semaphore, #tpu.memory_space<semaphore_mem>>) src(%dma_wait3A_131 : memref<4x4096xf32, #tpu.memory_space<vmem>>) dst(%dma_wait3A_127 : memref<4x4096xf32, #tpu.memory_space<hbm>>)
    return
  }
}

module attributes {stable_mosaic.version = 14 : i64} {
  func.func @_pos_body(%arg0: memref<64x256xf32, #tpu.memory_space<vmem>>, %arg1: memref<64x256xf32, #tpu.memory_space<vmem>>, %arg2: memref<256x4096xf32, #tpu.memory_space<vmem>>) attributes {dimension_semantics = [], scalar_prefetch = 0 : i64, scratch_operands = 0 : i64, tpu.core_type = #tpu.core_type<tc>} {
    %get3A = arith.constant 0 : index
    %get3A_0 = arith.constant 0 : index
    %get3A_1 = vector.load %arg0[%get3A, %get3A_0] : memref<64x256xf32, #tpu.memory_space<vmem>>, vector<64x256xf32>
    %transpose3A = tpu.transpose %get3A_1, [1, 0] : vector<64x256xf32> -> vector<256x64xf32>
    %get3A_2 = arith.constant 0 : index
    %get3A_3 = arith.constant 0 : index
    %get3A_4 = vector.load %arg1[%get3A_2, %get3A_3] : memref<64x256xf32, #tpu.memory_space<vmem>>, vector<64x256xf32>
    %transpose3A_5 = tpu.transpose %get3A_4, [1, 0] : vector<64x256xf32> -> vector<256x64xf32>
    %broadcast_in_dim3A = vector.shape_cast %transpose3A : vector<256x64xf32> to vector<256x64x1xf32>
    %broadcast_in_dim3A_6 = vector.shape_cast %transpose3A_5 : vector<256x64xf32> to vector<256x1x64xf32>
    %add3A = vector.broadcast %broadcast_in_dim3A : vector<256x64x1xf32> to vector<256x64x64xf32>
    %add3A_7 = vector.broadcast %broadcast_in_dim3A_6 : vector<256x1x64xf32> to vector<256x64x64xf32>
    %add3A_8 = arith.addf %add3A, %add3A_7 : vector<256x64x64xf32>
    %reshape3A = vector.shape_cast %add3A_8 : vector<256x64x64xf32> to vector<256x4096xf32>
    %swap3A = arith.constant 0 : index
    %swap3A_9 = arith.constant 0 : index
    %swap3A_10 = vector.load %arg2[%swap3A, %swap3A_9] : memref<256x4096xf32, #tpu.memory_space<vmem>>, vector<256x4096xf32>
    tpu.vector_store %arg2[%swap3A, %swap3A_9], %reshape3A {strides = array<i32>} : memref<256x4096xf32, #tpu.memory_space<vmem>>, vector<256x4096xf32>,
    return
  }
}

</mosaic_0001>

<sc_bundles>
// kernel: kernel.4.cloned.1.call-start
scs
__scs_entry_jumppad:
0x0: {  	(pc) =	sbr.rel $0x88, $3  }
0x1: {  	(tag) =	ssettag $0x0;
	lr =	simm.s32 $0x1  }
0x2: {  	[smem:$0x3F9E] =	sst lr;
	_ =	strace $0xD0000000  }
0x3: {  	_ = 	snop  }
0x4: {  	_ = 	snop  }
0x5: {  	_ = 	snop  }
0x6: {  	_ = 	snop  }
0x7: {  	_ = 	snop  }
__scs_overlays_trampoline_lowered:
0x8: {  	[smem:$0x3FAD] =	sst s0  }
0x9: {  	[smem:$0x3FAE] =	sst s1  }
0xa: {  	[smem:$0x3FAF] =	sst s2  }
0xb: {  	[smem:$0x3FB0] =	sst s3  }
0xc: {  	[smem:$0x3FB1] =	sst s4  }
0xd: {  	[smem:$0x3FB2] =	sst s5  }
0xe: {  	[smem:$0x3FB3] =	sst s6  }
0xf: {  	[smem:$0x3FB4] =	sst s7  }
0x10: {  	[smem:$0x3FB5] =	sst s8  }
0x11: {  	[smem:$0x3FB6] =	sst s9;
	s0 =	simm.s32 @!p0 $0x0  }
0x12: {  	s1 =	sld [smem:$0x3F9C];
	s0 =	simm.s32 @p0 $0x1  }
0x13: {  	[smem:$0x3FB7] =	sst s0;
	s0 =	simm.s32 @!p1 $0x0  }
0x14: {  	s2 =	sld [smem:$0x3F9B];
	s0 =	simm.s32 @p1 $0x1  }
0x15: {  	[smem:$0x3FB8] =	sst s0;
	s0 =	simm.s32 @!p2 $0x0  }
0x16: {  	s3 =	sld [smem:$0x3FDB];
	s0 =	simm.s32 @p2 $0x1  }
0x17: {  	s4 =	simm.s32 $0x1BF5;
	[smem:$0x3FBA] =	sst s0  }
0x18: {  	s0 =	sld [smem:$0x3F9D];
	_ =	swait.ge [sflag:s4], $0x0  }
0x19: {  	s7 =	sld [smem:$0x3F9E]  }
0x1a: {  	s8 =	sadd.s32 $0xFFFFE003, lr  }
0x1b: {  	s9 =	sadd.s32 $0xFFFFFEF7, lr;
	s5 =	simm.s32 $0xFFFFFFFF;
	p2 =	slt.u32 s8, $0xFFFFF086  }
0x1c: {  	p1 =	slt.u32 s9, $0xF7A;
	s5 =	simm.s32 @!p2 $0x0  }
0x1d: {  	s5 =	simm.s32 @p1 $0x1;
	p0 =	seq.s32 s7, s2  }
0x1e: {  	s7 =	smul.u32 @!p0 $0xF7A, s2;
	p2 =	seq.s32 @!p0 s5, $0x0  }
0x1f: {  	s9 =	smul.u32 $0xF7A, s1;
	s8 =	simm.s32 @!p0 $0x1BF5;
	p2 =	por !p2, p0  }
0x20: {  	[sflag:s8] =	ssyncset.s32 @!p0 $0xFFFFF086;
	s6 =	sadd.s32 @!p0 s3, s7;
	s7 =	simm.s32 @!p0 $0x108  }
0x21: {  	s3 =	sadd.s32 s3, s9;
	s6 =	sadd.s32 @!p0 $0x88, s6;
	s7 =	simm.s32 @p2 $0x1082  }
0x22: {  	[simem:s7], [sflag:s8] =	dma.local @!p0 [hbm:s6], $0xF7A  }
0x23: {  	s9 =	sor.u32 $0xD0000000, s2;
	s6 =	simm.s32 $0x108;
	_ =	swait.ge @!p0 [sflag:s8], $0x0  }
0x24: {  	s3 =	sadd.s32 $0x88, s3;
	s6 =	simm.s32 @!p1 $0x1082;
	[sflag:s4] =	ssyncset.s32 $0xFFFFF086  }
0x25: {  	[simem:s6], [sflag:s4] =	dma.local [hbm:s3], $0xF7A  }
0x26: {  	[smem:$0x3F9E] =	sst s1;
	(tag) =	ssettag s2;
	_ =	strace s9  }
0x27: {  	s1 =	sld [smem:$0x3FAE]  }
0x28: {  	s2 =	sld [smem:$0x3FAF]  }
0x29: {  	s4 =	sld [smem:$0x3FB1]  }
0x2a: {  	p0 =	seq.s32 s5, $0x0;
	s5 =	sld [smem:$0x3FB2]  }
0x2b: {  	s6 =	sld [smem:$0x3FB3]  }
0x2c: {  	s7 =	sld [smem:$0x3FB4]  }
0x2d: {  	s3 =	simm.s32 $0x108;
	s8 =	sld [smem:$0x3FB5]  }
0x2e: {  	s3 =	simm.s32 @!p0 $0x1082;
	s9 =	sld [smem:$0x3FB6]  }
0x2f: {  	lr =	sadd.s32 s0, s3;
	s0 =	sld [smem:$0x3FAD]  }
0x30: {  	s3 =	sld [smem:$0x3FB0]  }
0x31: {  	[smem:$0x3FB9] =	sst s10  }
0x32: {  	s10 =	sld [smem:$0x3FB7];
	_ =	sdelay $0x3  }
0x33: {  	p0 =	seq.s32 s10, $0x1;
	s10 =	sld [smem:$0x3FB9];
	_ =	sdelay $0x3  }
0x34: {  	[smem:$0x3FB9] =	sst s10  }
0x35: {  	s10 =	sld [smem:$0x3FB8];
	_ =	sdelay $0x3  }
0x36: {  	p1 =	seq.s32 s10, $0x1;
	s10 =	sld [smem:$0x3FB9];
	_ =	sdelay $0x3  }
0x37: {  	[smem:$0x3FB9] =	sst s10  }
0x38: {  	s10 =	sld [smem:$0x3FBA]  }
0x39: {  	_ = 	snop;
	(pc) =	sbr.ind lr, $3  }
0x3a: {  	_ = 	snop  }
0x3b: {  	_ = 	snop  }
0x3c: {  	p2 =	seq.s32 s10, $0x1;
	s10 =	sld [smem:$0x3FB9]  }
0x3d: {  	_ =	shalt  }
0x3e: {  	_ =	shalt  }
0x3f: {  	_ =	shalt  }
0x40: {  	_ =	shalt  }
0x41: {  	_ =	shalt  }
0x42: {  	_ =	shalt  }
0x43: {  	_ =	shalt  }
0x44: {  	_ =	shalt  }
0x45: {  	_ =	shalt  }
0x46: {  	_ =	shalt  }
0x47: {  	_ =	shalt  }
0x48: {  	_ =	shalt  }
0x49: {  	_ =	shalt  }
0x4a: {  	_ =	shalt  }
0x4b: {  	_ =	shalt  }
0x4c: {  	_ =	shalt  }
0x4d: {  	_ =	shalt  }
0x4e: {  	_ =	shalt  }
0x4f: {  	_ =	shalt  }
0x50: {  	_ =	shalt  }
0x51: {  	_ =	shalt  }
0x52: {  	_ =	shalt  }
0x53: {  	_ =	shalt  }
0x54: {  	_ =	shalt  }
0x55: {  	_ =	shalt  }
0x56: {  	_ =	shalt  }
0x57: {  	_ =	shalt  }
0x58: {  	_ =	shalt  }
0x59: {  	_ =	shalt  }
0x5a: {  	_ =	shalt  }
0x5b: {  	_ =	shalt  }
0x5c: {  	_ =	shalt  }
0x5d: {  	_ =	shalt  }
0x5e: {  	_ =	shalt  }
0x5f: {  	_ =	shalt  }
0x60: {  	_ =	shalt  }
0x61: {  	_ =	shalt  }
0x62: {  	_ =	shalt  }
0x63: {  	_ =	shalt  }
0x64: {  	_ =	shalt  }
0x65: {  	_ =	shalt  }
0x66: {  	_ =	shalt  }
0x67: {  	_ =	shalt  }
0x68: {  	_ =	shalt  }
0x69: {  	_ =	shalt  }
0x6a: {  	_ =	shalt  }
0x6b: {  	_ =	shalt  }
0x6c: {  	_ =	shalt  }
0x6d: {  	_ =	shalt  }
0x6e: {  	_ =	shalt  }
0x6f: {  	_ =	shalt  }
0x70: {  	_ =	shalt  }
0x71: {  	_ =	shalt  }
0x72: {  	_ =	shalt  }
0x73: {  	_ =	shalt  }
0x74: {  	_ =	shalt  }
0x75: {  	_ =	shalt  }
0x76: {  	_ =	shalt  }
0x77: {  	_ =	shalt  }
0x78: {  	_ =	shalt  }
0x79: {  	_ =	shalt  }
0x7a: {  	_ =	shalt  }
0x7b: {  	_ =	shalt  }
0x7c: {  	_ =	shalt  }
0x7d: {  	_ =	shalt  }
0x7e: {  	_ =	shalt  }
0x7f: {  	_ =	shalt  }
0x80: {  	_ =	shalt  }
0x81: {  	_ =	shalt  }
0x82: {  	_ =	shalt  }
0x83: {  	_ =	shalt  }
0x84: {  	_ =	shalt  }
0x85: {  	_ =	shalt  }
0x86: {  	_ =	shalt  }
0x87: {  	_ =	shalt  }
.Lfunc_end0:
.L_simem_size_0:
called_computation_lowered:
.L_overlay_start_0:
0x88: {  	s2 =	sld [smem:$0x3FD9]  }
0x89: {  	s3 =	sld [smem:$0x3FFE];
	_ =	sdelay $0x1  }
0x8a: {  	s1 =	srdreg.scid  }
0x8b: {  	s0 =	sand.u32 $0x1, s1  }
0x8c: {  	s17 =	sshll.u32 s0, $0xA;
	s2 =	sadd.s32 s3, s2  }
0x8d: {  	s2 =	sadd.s32 s2, s17  }
0x8e: {  	[smem:$0x3FC5] =	sst s2  }
0x8f: {  	_ = 	snop  }
0x90: {  	s2 =	sld [smem:$0x3FD0];
	(tm) =	ssettm $0x1  }
0x91: {  	s18 =	sld [smem:$0x3FFB];
	_ =	sdelay $0x3  }
0x92: {  	_ =	strace s18  }
0x93: {  	s3 =	sld [smem:$0x3FFC];
	_ =	sdelay $0x3  }
0x94: {  	_ =	strace s3  }
0x95: {  	s3 =	sld [smem:$0x3FFD];
	_ =	sdelay $0x3  }
0x96: {  	_ =	strace s3  }
0x97: {  	_ =	strace $0x8FFFFFFF  }
0x98: {  	s19 =	sld [smem:$0x3FDB];
	_ =	sdelay $0x1  }
0x99: {  	s4 =	simm.s32 $_scs_section_size  }
0x9a: {  	s5 =	simm.s32 $_size__tile_overlayer_lowered;
	s6 =	simm.s32 $_tile_overlayer_lowered  }
0x9b: {  	s22 =	simm.s32 $0x1BFF;
	s21 =	sshll.u32 s6, $0x1;
	s3 =	sadd.s32 s4, s19  }
0x9c: {  	s7 =	simm.s32 $0x0;
	s20 =	sshll.u32 s5, $0x1;
	s5 =	sadd.s32 s21, s3  }
0x9d: {  	[timem:s7], [sflag:s22] =	dma.local [hbm:s5], s20  }
0x9e: {  	_ =	swait.ge [sflag:s22], s20  }
0x9f: {  	s4 =	ssub.s32 $0x0, s20;
	[sflag:s22] =	ssyncset.done $0x0  }
0xa0: {  	[sflag:s22] =	ssyncadd.s32 s4;
	_ =	sdelay $0x1  }
0xa1: {  	s23 =	simm.s32 $0x1B8B  }
0xa2: {  	_ =	swait.ge [sflag:s23], $0x1  }
0xa3: {  	[sflag:s23] =	ssyncset.done $0x0  }
0xa4: {  	s25 =	simm.s32 $0x1B8E;
	s24 =	sld [smem:$0x3FFE];
	[sflag:s23] =	ssyncadd.s32 $0xFFFFFFFF  }
0xa5: {  	s26 =	simm.s32 $execute0_lowered;
	[smem:$0x3FD2] =	sst s25  }
0xa6: {  	s5 =	sshll.u32 s26, $0x1;
	_ =	strace $0x80000046;
	[dreg:$0x1] =	wrdreg $0xFFFFFFFF  }
0xa7: {  	s28 =	simm.s32 $_size_execute0_lowered;
	s3 =	sadd.s32 s3, s5;
	[dreg:$0x0] =	wrdreg $0x0  }
0xa8: {  	s5 =	sshll.u32 s28, $0x1;
	[dreg:$0x2] =	wrdreg s3  }
0xa9: {  	[dreg:$0x3] =	wrdreg s5  }
0xaa: {  	[dreg:$0x4] =	wrdreg $0xC0  }
0xab: {  	_ =	task [dreg:s7], $0x5FFFF  }
0xac: {  	[dreg:$0x1] =	wrdreg $0xFFFFFFFF  }
0xad: {  	[dreg:$0x0] =	wrdreg $0x60  }
0xae: {  	[dreg:$0x2] =	wrdreg s2  }
0xaf: {  	[dreg:$0x3] =	wrdreg s24  }
0xb0: {  	[dreg:$0x4] =	wrdreg $0x9  }
0xb1: {  	_ =	task.clear_ibuf [dreg:s7], $0x5FFFF;
	_ =	strace $0x90000046  }
0xb2: {  	s29 =	simm.s32 $0x9;
	_ =	strace $0x80000048  }
0xb3: {  	_ =	swait.ge [sflag:s29], $0x1  }
0xb4: {  	[sflag:s29] =	ssyncadd.s32 $0xFFFFFFFF  }
0xb5: {  	_ =	strace $0x90000048  }
0xb6: {  	_ =	sfence  }
0xb7: {  	s30 =	sld [smem:$0x0];
	_ =	sdelay $0x2  }
0xb8: {  	s31 =	sshll.u32 s1, $0xD;
	s1 =	sshrl.u32 s1, $0x2  }
0xb9: {  	s3 =	sand.u32 $0x4000, s31;
	s1 =	sadd.s32 s1, s30  }
0xba: {  	s0 =	sor.u32 s3, s0;
	s1 =	sshll.u32 s1, $0x11  }
0xbb: {  	s0 =	sor.u32 s1, s0  }
0xbc: {  	s0 =	sadd.s32 $0x8F2B, s0  }
0xbd: {  	[sflag:s0] =	ssyncadd.remote.s32 $0x1  }
0xbe: {  	_ =	sfence.sel $0xFFFF  }
0xbf: {  	[dreg:$0x0] =	wrdreg $0xFFFFFFFF;
	(pc) =	sbr.abs _section_cstart, $3  }
0xc0: {  	[dreg:$0x1] =	wrdreg $0xFFFFFFFF  }
0xc1: {  	_ =	task.clear_ibuf [dreg:s7], $0x2FFFF;
	_ =	strace $0x9FFFFFFF  }
0xc2: {  	(tm) =	ssettm $0x7FFFFFFF  }
0xc3: {  	_ =	shalt  }
tec
execute0_lowered:
.L_overlay_start_1:
0x0: {  	(tag) =	ssettag $0x1  }
0x1: {  	s1 =	rddreg [dreg:$0x0]  }
0x2: {  	s0 =	rddreg [dreg:$0x1];
	s2 =	srdreg.scid  }
0x3: {  	s4 =	simm.s32 $0x0;
	s3 =	stileid.u32;
	s10 =	simm.s32 $0x200  }
0x4: {  	s11 =	simm.s32 $0x400;
	s12 =	simm.s32 $0x8000;
	s13 =	simm.s32 $0xC000  }
0x5: {  	s14 =	simm.s32 $0x9;
	s15 =	simm.s32 $0x5;
	s16 =	simm.s32 $0x6  }
0x6: {  	s17 =	simm.s32 $0x7;
	s18 =	simm.s32 $0x8;
	s19 =	simm.s32 $0x0  }
0x7: {  	s2 =	sand.u32 $0x1, s2;
	[smem:$0x7FF] =	sst s4;
	s30 =	sshll.u32 s3, $0xD  }
0x8: {  	s6 =	sadd.s32 $0x20A00, s0;
	s5 =	sshll.u32 s2, $0xC;
	s2 =	ssub.s32 $0x2, s2  }
0x9: {  	_ =	strace $0x80000047;
	s4 =	sor.u32 s5, s30;
	s7 =	sshrl.u32 s2, $0x1  }
0xa: {  	s8 =	sadd.s32 s4, s0;
	s5 =	sadd.s32 s1, s4;
	s31 =	ssub.s32 s2, s7  }
0xb: {  	s7 =	sadd.s32 $0x40, s5;
	s8 =	sadd.s32 $0xA00, s8;
	s9 =	smax.u32 s31, $0x1  }
.LBB2_1:
0xc: {  	[tilespmem:s12], [sflag:$0x1] =	stream.strided.gather [hbm4b:s5+s10], $0x4000, s11, s10, $0x38;
	[tilespmem:$0x18000] =	vst v63  }
0xd: {  	_ = 	snop  }
0xe: {  	[tilespmem:s13], [sflag:$0x2] =	stream.strided.gather [hbm4b:s7+s10], $0x4000, s11, s10, $0x38;
	[tilespmem:$0x18000] =	vst v63  }
0xf: {  	s0 =	simm.s32 $0x0  }
0x10: {  	[tilespmem:s0], [sflag:$0x9] =	stream.linear.gather [hbm4b:s8+s0], $0x8000, $0x38;
	[tilespmem:$0x18000] =	vst v63  }
0x11: {  	_ =	swait.ge [sflag:s14], $0x8000  }
0x12: {  	p0 =	por $0x0, $0x0;
	[sflag:s14] =	ssyncset.done $0x0  }
0x13: {  	s20 =	simm.s32 $0x0;
	s21 =	simm.s32 $0x0;
	[sflag:s14] =	ssyncadd.s32 $0xFFFF8000  }
.LBB2_2:
0x14: {  	s22 =	sand.u32 $0x3, s21  }
0x15: {  	s0 =	simm.s32 $0x1;
	s2 =	sadd.s32 $0x1, s22  }
0x16: {  	s0 =	simm.s32 @!p0 $0x0;
	_ =	swait.ge [sflag:s2], $0x4000  }
0x17: {  	s0 =	sshll.u32 s0, $0x9;
	[sflag:s2] =	ssyncset.done $0x0  }
0x18: {  	s3 =	sor.u32 $0x40, s0;
	[sflag:s2] =	ssyncadd.s32 $0xFFFFC000  }
0x19: {  	v0 =	vld [tilespmem:s3+$0x30]  }
0x1a: {  	v1 =	vld [tilespmem:s3+$0xFFFFFFD0]  }
0x1b: {  	v2 =	vld [tilespmem:s3+$0xFFFFFFE0]  }
0x1c: {  	v3 =	vld [tilespmem:s3+$0xFFFFFFF0]  }
0x1d: {  	v4 =	vld [tilespmem:s3+$0x0]  }
0x1e: {  	s23 =	sshll.u32 s20, $0xE;
	v63 =	vld [tilespmem:s3+$0x10]  }
0x1f: {  	s2 =	sand.u32 $0xC000, s23;
	v5 =	vld [tilespmem:s3+$0x20]  }
0x20: {  	s31 =	sadd.s32 $0x8070, s2;
	v6 =	vld [tilespmem:s3+$0xFFFFFFC0]  }
0x21: {  	[tilespmem:s31+$0x0] =	vst.add.f32.msk $0xffff, v0  }
0x22: {  	[tilespmem:s31+$0xFFFFFFA0] =	vst.add.f32.msk $0xffff, v1  }
0x23: {  	[tilespmem:s31+$0xFFFFFFB0] =	vst.add.f32.msk $0xffff, v2  }
0x24: {  	[tilespmem:s31+$0xFFFFFFC0] =	vst.add.f32.msk $0xffff, v3  }
0x25: {  	s24 =	sshll.u32 s22, $0xE;
	[tilespmem:s31+$0xFFFFFFD0] =	vst.add.f32.msk $0xffff, v4  }
0x26: {  	s24 =	sadd.s32 $0x8000, s24;
	s25 =	sor.u32 $0x1F0, s0;
	s28 =	sor.u32 $0x170, s0;
	[tilespmem:s31+$0xFFFFFF90] =	vst.add.f32.msk $0xffff, v6  }
0x27: {  	s30 =	sor.u32 $0xF0, s0;
	s0 =	simm.s32 $0x0;
	s23 =	sadd.s32 $0x81F0, s2;
	[tilespmem:s31+$0xFFFFFFE0] =	vst.add.f32.msk $0xffff, v63  }
0x28: {  	s26 =	sadd.s32 $0x8170, s2;
	s29 =	sadd.s32 $0x80F0, s2;
	s2 =	sadd.s32 $0x400, s3;
	[tilespmem:s31+$0xFFFFFFF0] =	vst.add.f32.msk $0xffff, v5  }
.LBB2_3:
0x29: {  	v0 =	vld [tilespmem:s2+$0x30];
	s0 =	sadd.s32 $0x80, s0  }
0x2a: {  	v1 =	vld [tilespmem:s2+$0xFFFFFFD0];
	p1 =	slt.u32 s0, $0xF80  }
0x2b: {  	v2 =	vld [tilespmem:s2+$0xFFFFFFE0]  }
0x2c: {  	v3 =	vld [tilespmem:s2+$0xFFFFFFF0]  }
0x2d: {  	s31 =	sadd.s32 $0x200, s31;
	v4 =	vld [tilespmem:s2+$0x0]  }
0x2e: {  	[tilespmem:s31+$0x0] =	vst.add.f32.msk $0xffff, v0  }
0x2f: {  	v0 =	vld [tilespmem:s2+$0x10]  }
0x30: {  	v5 =	vld [tilespmem:s2+$0x20]  }
0x31: {  	v6 =	vld [tilespmem:s2+$0xFFFFFFC0]  }
0x32: {  	[tilespmem:s31+$0xFFFFFFA0] =	vst.add.f32.msk $0xffff, v1  }
0x33: {  	[tilespmem:s31+$0xFFFFFFB0] =	vst.add.f32.msk $0xffff, v2  }
.Ltmp0:
0x34: {  	[tilespmem:s31+$0xFFFFFFC0] =	vst.add.f32.msk $0xffff, v3;
	(pc) =	sbr.rel @p1 .LBB2_3-.Ltmp0, $4  }
0x35: {  	[tilespmem:s31+$0xFFFFFFD0] =	vst.add.f32.msk $0xffff, v4  }
0x36: {  	[tilespmem:s31+$0xFFFFFF90] =	vst.add.f32.msk $0xffff, v6  }
0x37: {  	[tilespmem:s31+$0xFFFFFFE0] =	vst.add.f32.msk $0xffff, v0  }
0x38: {  	s2 =	sadd.s32 $0x400, s2;
	[tilespmem:s31+$0xFFFFFFF0] =	vst.add.f32.msk $0xffff, v5  }
0x39: {  	v0 =	vld [tilespmem:s30+$0x0]  }
0x3a: {  	v1 =	vld [tilespmem:s30+$0xFFFFFFA0]  }
0x3b: {  	v2 =	vld [tilespmem:s30+$0xFFFFFFB0]  }
0x3c: {  	v3 =	vld [tilespmem:s30+$0xFFFFFFC0]  }
0x3d: {  	v4 =	vld [tilespmem:s30+$0xFFFFFFD0]  }
0x3e: {  	v63 =	vld [tilespmem:s30+$0xFFFFFFE0]  }
0x3f: {  	v5 =	vld [tilespmem:s30+$0xFFFFFFF0]  }
0x40: {  	v6 =	vld [tilespmem:s30+$0xFFFFFF90]  }
0x41: {  	[tilespmem:s29+$0x0] =	vst.add.f32.msk $0xffff, v0  }
0x42: {  	[tilespmem:s29+$0xFFFFFFA0] =	vst.add.f32.msk $0xffff, v1  }
0x43: {  	[tilespmem:s29+$0xFFFFFFB0] =	vst.add.f32.msk $0xffff, v2  }
0x44: {  	[tilespmem:s29+$0xFFFFFFC0] =	vst.add.f32.msk $0xffff, v3  }
0x45: {  	[tilespmem:s29+$0xFFFFFFD0] =	vst.add.f32.msk $0xffff, v4  }
0x46: {  	[tilespmem:s29+$0xFFFFFF90] =	vst.add.f32.msk $0xffff, v6  }
0x47: {  	[tilespmem:s29+$0xFFFFFFE0] =	vst.add.f32.msk $0xffff, v63  }
0x48: {  	s0 =	simm.s32 $0x0;
	s2 =	sadd.s32 $0x400, s30;
	[tilespmem:s29+$0xFFFFFFF0] =	vst.add.f32.msk $0xffff, v5  }
.LBB2_5:
0x49: {  	v0 =	vld [tilespmem:s2+$0x0];
	s0 =	sadd.s32 $0x80, s0  }
0x4a: {  	v1 =	vld [tilespmem:s2+$0xFFFFFFA0];
	p1 =	slt.u32 s0, $0xF80  }
0x4b: {  	v2 =	vld [tilespmem:s2+$0xFFFFFFB0]  }
0x4c: {  	v3 =	vld [tilespmem:s2+$0xFFFFFFC0]  }
0x4d: {  	s29 =	sadd.s32 $0x200, s29;
	v4 =	vld [tilespmem:s2+$0xFFFFFFD0]  }
0x4e: {  	[tilespmem:s29+$0x0] =	vst.add.f32.msk $0xffff, v0  }
0x4f: {  	v0 =	vld [tilespmem:s2+$0xFFFFFFE0]  }
0x50: {  	v5 =	vld [tilespmem:s2+$0xFFFFFFF0]  }
0x51: {  	v6 =	vld [tilespmem:s2+$0xFFFFFF90]  }
0x52: {  	[tilespmem:s29+$0xFFFFFFA0] =	vst.add.f32.msk $0xffff, v1  }
0x53: {  	[tilespmem:s29+$0xFFFFFFB0] =	vst.add.f32.msk $0xffff, v2  }
.Ltmp1:
0x54: {  	[tilespmem:s29+$0xFFFFFFC0] =	vst.add.f32.msk $0xffff, v3;
	(pc) =	sbr.rel @p1 .LBB2_5-.Ltmp1, $4  }
0x55: {  	[tilespmem:s29+$0xFFFFFFD0] =	vst.add.f32.msk $0xffff, v4  }
0x56: {  	[tilespmem:s29+$0xFFFFFF90] =	vst.add.f32.msk $0xffff, v6  }
0x57: {  	[tilespmem:s29+$0xFFFFFFE0] =	vst.add.f32.msk $0xffff, v0  }
0x58: {  	s2 =	sadd.s32 $0x400, s2;
	[tilespmem:s29+$0xFFFFFFF0] =	vst.add.f32.msk $0xffff, v5  }
0x59: {  	v0 =	vld [tilespmem:s28+$0x0]  }
0x5a: {  	v1 =	vld [tilespmem:s28+$0xFFFFFFA0]  }
0x5b: {  	v2 =	vld [tilespmem:s28+$0xFFFFFFB0]  }
0x5c: {  	v3 =	vld [tilespmem:s28+$0xFFFFFFC0]  }
0x5d: {  	v4 =	vld [tilespmem:s28+$0xFFFFFFD0]  }
0x5e: {  	v63 =	vld [tilespmem:s28+$0xFFFFFFE0]  }
0x5f: {  	v5 =	vld [tilespmem:s28+$0xFFFFFFF0]  }
0x60: {  	v6 =	vld [tilespmem:s28+$0xFFFFFF90]  }
0x61: {  	[tilespmem:s26+$0x0] =	vst.add.f32.msk $0xffff, v0  }
0x62: {  	[tilespmem:s26+$0xFFFFFFA0] =	vst.add.f32.msk $0xffff, v1  }
0x63: {  	[tilespmem:s26+$0xFFFFFFB0] =	vst.add.f32.msk $0xffff, v2  }
0x64: {  	[tilespmem:s26+$0xFFFFFFC0] =	vst.add.f32.msk $0xffff, v3  }
0x65: {  	[tilespmem:s26+$0xFFFFFFD0] =	vst.add.f32.msk $0xffff, v4  }
0x66: {  	[tilespmem:s26+$0xFFFFFF90] =	vst.add.f32.msk $0xffff, v6  }
0x67: {  	[tilespmem:s26+$0xFFFFFFE0] =	vst.add.f32.msk $0xffff, v63  }
0x68: {  	s0 =	simm.s32 $0x0;
	s2 =	sadd.s32 $0x400, s28;
	[tilespmem:s26+$0xFFFFFFF0] =	vst.add.f32.msk $0xffff, v5  }
.LBB2_7:
0x69: {  	v0 =	vld [tilespmem:s2+$0x0];
	s0 =	sadd.s32 $0x80, s0  }
0x6a: {  	v1 =	vld [tilespmem:s2+$0xFFFFFFA0];
	p1 =	slt.u32 s0, $0xF80  }
0x6b: {  	v2 =	vld [tilespmem:s2+$0xFFFFFFB0]  }
0x6c: {  	v3 =	vld [tilespmem:s2+$0xFFFFFFC0]  }
0x6d: {  	s26 =	sadd.s32 $0x200, s26;
	v4 =	vld [tilespmem:s2+$0xFFFFFFD0]  }
0x6e: {  	[tilespmem:s26+$0x0] =	vst.add.f32.msk $0xffff, v0  }
0x6f: {  	v0 =	vld [tilespmem:s2+$0xFFFFFFE0]  }
0x70: {  	v5 =	vld [tilespmem:s2+$0xFFFFFFF0]  }
0x71: {  	v6 =	vld [tilespmem:s2+$0xFFFFFF90]  }
0x72: {  	[tilespmem:s26+$0xFFFFFFA0] =	vst.add.f32.msk $0xffff, v1  }
0x73: {  	[tilespmem:s26+$0xFFFFFFB0] =	vst.add.f32.msk $0xffff, v2  }
.Ltmp2:
0x74: {  	[tilespmem:s26+$0xFFFFFFC0] =	vst.add.f32.msk $0xffff, v3;
	(pc) =	sbr.rel @p1 .LBB2_7-.Ltmp2, $4  }
0x75: {  	[tilespmem:s26+$0xFFFFFFD0] =	vst.add.f32.msk $0xffff, v4  }
0x76: {  	[tilespmem:s26+$0xFFFFFF90] =	vst.add.f32.msk $0xffff, v6  }
0x77: {  	[tilespmem:s26+$0xFFFFFFE0] =	vst.add.f32.msk $0xffff, v0  }
0x78: {  	s2 =	sadd.s32 $0x400, s2;
	[tilespmem:s26+$0xFFFFFFF0] =	vst.add.f32.msk $0xffff, v5  }
0x79: {  	v0 =	vld [tilespmem:s25+$0x0]  }
0x7a: {  	v1 =	vld [tilespmem:s25+$0xFFFFFFA0]  }
0x7b: {  	v2 =	vld [tilespmem:s25+$0xFFFFFFB0]  }
0x7c: {  	v3 =	vld [tilespmem:s25+$0xFFFFFFC0]  }
0x7d: {  	v4 =	vld [tilespmem:s25+$0xFFFFFFD0]  }
0x7e: {  	v63 =	vld [tilespmem:s25+$0xFFFFFFE0]  }
0x7f: {  	v5 =	vld [tilespmem:s25+$0xFFFFFFF0]  }
0x80: {  	v6 =	vld [tilespmem:s25+$0xFFFFFF90]  }
0x81: {  	[tilespmem:s23+$0x0] =	vst.add.f32.msk $0xffff, v0  }
0x82: {  	[tilespmem:s23+$0xFFFFFFA0] =	vst.add.f32.msk $0xffff, v1  }
0x83: {  	[tilespmem:s23+$0xFFFFFFB0] =	vst.add.f32.msk $0xffff, v2  }
0x84: {  	[tilespmem:s23+$0xFFFFFFC0] =	vst.add.f32.msk $0xffff, v3  }
0x85: {  	[tilespmem:s23+$0xFFFFFFD0] =	vst.add.f32.msk $0xffff, v4  }
0x86: {  	[tilespmem:s23+$0xFFFFFF90] =	vst.add.f32.msk $0xffff, v6  }
0x87: {  	[tilespmem:s23+$0xFFFFFFE0] =	vst.add.f32.msk $0xffff, v63  }
0x88: {  	s0 =	simm.s32 $0x0;
	s2 =	sadd.s32 $0x400, s25;
	[tilespmem:s23+$0xFFFFFFF0] =	vst.add.f32.msk $0xffff, v5  }
.LBB2_9:
0x89: {  	v0 =	vld [tilespmem:s2+$0x0];
	s0 =	sadd.s32 $0x80, s0  }
0x8a: {  	v1 =	vld [tilespmem:s2+$0xFFFFFFA0];
	p1 =	slt.u32 s0, $0xF80  }
0x8b: {  	v2 =	vld [tilespmem:s2+$0xFFFFFFB0]  }
0x8c: {  	v3 =	vld [tilespmem:s2+$0xFFFFFFC0]  }
0x8d: {  	s23 =	sadd.s32 $0x200, s23;
	v4 =	vld [tilespmem:s2+$0xFFFFFFD0]  }
0x8e: {  	[tilespmem:s23+$0x0] =	vst.add.f32.msk $0xffff, v0  }
0x8f: {  	v0 =	vld [tilespmem:s2+$0xFFFFFFE0]  }
0x90: {  	v5 =	vld [tilespmem:s2+$0xFFFFFFF0]  }
0x91: {  	v6 =	vld [tilespmem:s2+$0xFFFFFF90]  }
0x92: {  	[tilespmem:s23+$0xFFFFFFA0] =	vst.add.f32.msk $0xffff, v1  }
0x93: {  	[tilespmem:s23+$0xFFFFFFB0] =	vst.add.f32.msk $0xffff, v2  }
.Ltmp3:
0x94: {  	[tilespmem:s23+$0xFFFFFFC0] =	vst.add.f32.msk $0xffff, v3;
	(pc) =	sbr.rel @p1 .LBB2_9-.Ltmp3, $4  }
0x95: {  	[tilespmem:s23+$0xFFFFFFD0] =	vst.add.f32.msk $0xffff, v4  }
0x96: {  	[tilespmem:s23+$0xFFFFFF90] =	vst.add.f32.msk $0xffff, v6  }
0x97: {  	[tilespmem:s23+$0xFFFFFFE0] =	vst.add.f32.msk $0xffff, v0  }
0x98: {  	s2 =	sadd.s32 $0x400, s2;
	[tilespmem:s23+$0xFFFFFFF0] =	vst.add.f32.msk $0xffff, v5  }
0x99: {  	s0 =	sshll.u32 s21, $0x10;
	s2 =	sshll.u32 s21, $0x6  }
0x9a: {  	p1 =	sgt.u32 s21, $0x1D;
	s0 =	sand.u32 $0x1E0000, s0;
	s2 =	sand.u32 $0x40, s2  }
0x9b: {  	p2 =	slt.u32 @!p1 s21, $0x2;
	s0 =	sor.u32 s0, s4;
	s3 =	sadd.s32 s6, s2  }
0x9c: {  	s23 =	sadd.s32 $0x5, s22;
	p2 =	por p2, p1;
	s0 =	sadd.s32 s0, s3  }
0x9d: {  	[hbm4b:s0+s10] =	stream.strided.scatter [tilespmem:s24], [sflag:s23], $0x4000, s11, s10, $0x38;
	[tilespmem:$0x18000] =	vst v63  }
0x9e: {  	s0 =	sxor.u32 @!p2 $0x2, s22  }
0x9f: {  	s2 =	sadd.s32 @!p1 s1, s2;
	s0 =	sadd.s32 @!p2 $0x5, s0  }
0xa0: {  	s3 =	sadd.s32 $0x2, s21;
	s21 =	sadd.s32 $0x1, s21;
	_ =	swait.ge @!p2 [sflag:s0], $0x4000  }
0xa1: {  	s22 =	sshll.u32 @!p1 s3, $0x10;
	s3 =	sand.u32 @!p1 $0x3, s3;
	[sflag:s0] =	ssyncset.done @!p2 $0x0  }
0xa2: {  	s23 =	simm.s32 @!p1 $0x400;
	s22 =	sand.u32 @!p1 $0x3E0000, s22;
	[sflag:s0] =	ssyncadd.s32 @!p2 $0xFFFFC000  }
0xa3: {  	s0 =	sor.u32 @!p1 s22, s4;
	s22 =	sshll.u32 @!p1 s3, $0xE;
	s3 =	sadd.s32 @!p1 $0x1, s3  }
0xa4: {  	s22 =	sadd.s32 @!p1 $0x8000, s22;
	s0 =	sadd.s32 @!p1 s0, s2;
	s2 =	simm.s32 @!p1 $0x200  }
0xa5: {  	[tilespmem:s22], [sflag:s3] =	stream.strided.gather @!p1 [hbm4b:s0+s2], $0x4000, s23, s2, $0x38;
	[tilespmem:$0x18000] =	vst v63  }
0xa6: {  	p1 =	sne.s32 s21, $0x20  }
.Ltmp4:
0xa7: {  	_ = 	snop;
	(pc) =	sbr.rel @p1 .LBB2_2-.Ltmp4, $2  }
0xa8: {  	_ =	sdelay $0x2  }
0xa9: {  	s20 =	sadd.s32 $0x1, s20;
	p0 =	por !p0, !p0  }
0xaa: {  	_ =	swait.ge [sflag:s15], $0x4000  }
0xab: {  	[sflag:s15] =	ssyncset.done $0x0  }
0xac: {  	[sflag:s15] =	ssyncadd.s32 $0xFFFFC000  }
0xad: {  	_ =	swait.ge [sflag:s16], $0x4000  }
0xae: {  	[sflag:s16] =	ssyncset.done $0x0  }
0xaf: {  	s19 =	sadd.s32 $0x1, s19;
	[sflag:s16] =	ssyncadd.s32 $0xFFFFC000  }
0xb0: {  	p0 =	sne.s32 s19, s9;
	_ =	swait.ge [sflag:s17], $0x4000  }
.Ltmp5:
0xb1: {  	[sflag:s17] =	ssyncset.done $0x0;
	(pc) =	sbr.rel @p0 .LBB2_1-.Ltmp5, $4  }
0xb2: {  	[sflag:s17] =	ssyncadd.s32 $0xFFFFC000  }
0xb3: {  	_ =	swait.ge [sflag:s18], $0x4000  }
0xb4: {  	[sflag:s18] =	ssyncset.done $0x0  }
0xb5: {  	[sflag:s18] =	ssyncadd.s32 $0xFFFFC000  }
0xb6: {  	_ =	sfence.sel $0x180000  }
0xb7: {  	[bflag:$0x0] =	sbarrier.arrive $0xFFFF  }
0xb8: {  	_ =	strace $0x90000047  }
0xb9: {  	s0 =	stileid.u32;
	[bflag:$0x2] =	sbarrier.arrive $0xFFFF  }
0xba: {  	p0 =	sne.s32 s0, $0x0;
	s0 =	rddreg [dreg:$0x2]  }
0xbb: {  	s0 =	sadd.s32 @!p0 $0x100000, s0  }
0xbc: {  	[sflag:s0] =	ssyncadd.tile.s32 @!p0 $0x1;
	_ =	shalt  }
.Lfunc_end2:
_tile_overlayer_lowered:
.L_overlay_start_2:
0xbd: {  	(tag) =	ssettag $0x2  }
0xbe: {  	s0 =	rddreg [dreg:$0x0];
	s2 =	stileid.u32  }
0xbf: {  	s1 =	rddreg [dreg:$0x1];
	p0 =	sne.s32 s2, $0x0  }
0xc0: {  	s3 =	rddreg [dreg:$0x2];
	[bflag:$0x3] =	sbarrier.arrive $0xFFFF;
	s2 =	simm.s32 @!p0 $0x1C09  }
0xc1: {  	[timem:s3], [sflag:s2] =	dma.local @!p0 [hbm:s0], s1  }
0xc2: {  	s0 =	simm.s32 @!p0 $0x9  }
0xc3: {  	_ =	swait.ge @!p0 [sflag:s0], s1  }
0xc4: {  	s1 =	ssub.s32 @!p0 $0x0, s1;
	[sflag:s0] =	ssyncset.done @!p0 $0x0  }
0xc5: {  	[sflag:s0] =	ssyncadd.s32 @!p0 s1  }
0xc6: {  	[bflag:$0x3] =	sbarrier.arrive $0xFFFF  }
0xc7: {  	_ =	shalt  }

</sc_bundles>
